<compile_context>
chip_gen: v7x
topology: tpu7x:2x2x1
jax: 0.10.2.dev20260603
libtpu: 0.0.44.dev20260713+nightly
codegen_flags: <defaults>
</compile_context>

<pallas_src>
import functools

import jax
import jax.numpy as jnp
from jax import lax
from jax.experimental import pallas as pl
from jax.experimental.pallas import tpu as pltpu
from jax.experimental.pallas import tpu_sc as plsc

N = 10000
E = 320000
D_FEAT = 128
HIDDEN = 64
N_GRAPHS = 64

NC = 2
NS = 16
NW = NC * NS
EPW = E // NW
CHUNK = 80
NCHUNK = EPW // CHUNK
NCH_ALLOC = 128
N_PAD = 10240
RPT = N_PAD // NS
W = 128


def _sc_mesh():
    return plsc.VectorSubcoreMesh(
        core_axis_name="c", subcore_axis_name="s",
        num_cores=NC, num_subcores=NS)


def _deg_partial(dst3, ones, zeros):

    @functools.partial(
        pl.kernel,
        out_type=jax.ShapeDtypeStruct((NC, N_PAD, W), jnp.float32),
        mesh=_sc_mesh(),
        scratch_types=[
            pltpu.VMEM((NCH_ALLOC, CHUNK), jnp.int32),
            pltpu.VMEM((CHUNK, W), jnp.float32),
            pltpu.VMEM_SHARED((N_PAD, W), jnp.float32),
            pltpu.SemaphoreType.DMA,
        ],
    )
    def kern(dst_hbm, ones_hbm, zeros_hbm, out_hbm, dst_v, ones_v, acc_sh,
             dsem):
        c = lax.axis_index("c")
        s = lax.axis_index("s")
        wid = c * NS + s
        r0 = s * RPT
        pltpu.async_copy(zeros_hbm.at[pl.ds(r0, RPT)],
                         acc_sh.at[pl.ds(r0, RPT)], dsem)
        pltpu.sync_copy(ones_hbm, ones_v)
        pltpu.sync_copy(dst_hbm.at[wid], dst_v)
        pltpu.make_async_copy(zeros_hbm.at[pl.ds(r0, RPT)],
                              acc_sh.at[pl.ds(r0, RPT)], dsem).wait()
        plsc.subcore_barrier()

        def issue(j, carry):
            pltpu.async_copy(ones_v, acc_sh.at[dst_v.at[j]], dsem, add=True)
            return carry

        lax.fori_loop(0, NCHUNK, issue, 0)

        def drain(j, carry):
            pltpu.make_async_copy(ones_v, acc_sh.at[dst_v.at[j]], dsem).wait()
            return carry

        lax.fori_loop(0, NCHUNK, drain, 0)
        plsc.subcore_barrier()
        pltpu.sync_copy(acc_sh.at[pl.ds(r0, RPT)],
                        out_hbm.at[c, pl.ds(r0, RPT)])

    return kern(dst3, ones, zeros)


def _prop_partial(hs, src3, dst3, zeros):

    @functools.partial(
        pl.kernel,
        out_type=jax.ShapeDtypeStruct((NC, N_PAD, W), jnp.float32),
        mesh=_sc_mesh(),
        scratch_types=[
            pltpu.VMEM((EPW,), jnp.int32),
            pltpu.VMEM((NCH_ALLOC, CHUNK), jnp.int32),
            pltpu.VMEM((CHUNK, W), jnp.float32),
            pltpu.VMEM((CHUNK, W), jnp.float32),
            pltpu.VMEM_SHARED((N_PAD, W), jnp.float32),
            pltpu.SemaphoreType.DMA,
            pltpu.SemaphoreType.DMA,
        ],
    )
    def kern(hs_hbm, src_hbm, dst_hbm, zeros_hbm, out_hbm,
             src_v, dst_v, rows_a, rows_b, acc_sh, sem_a, sem_b):
        c = lax.axis_index("c")
        s = lax.axis_index("s")
        wid = c * NS + s
        r0 = s * RPT
        pltpu.async_copy(zeros_hbm.at[pl.ds(r0, RPT)],
                         acc_sh.at[pl.ds(r0, RPT)], sem_b)
        pltpu.sync_copy(src_hbm.at[wid], src_v)
        pltpu.sync_copy(dst_hbm.at[wid], dst_v)

        def start_g(j, buf, sem):
            pltpu.async_copy(hs_hbm.at[src_v.at[pl.ds(j * CHUNK, CHUNK)]],
                             buf, sem)

        def wait_g(j, buf, sem):
            pltpu.make_async_copy(hs_hbm.at[src_v.at[pl.ds(j * CHUNK, CHUNK)]],
                                  buf, sem).wait()

        def scat(j, buf):
            pltpu.sync_copy(buf, acc_sh.at[dst_v.at[j]], add=True)

        start_g(0, rows_a, sem_a)
        pltpu.make_async_copy(zeros_hbm.at[pl.ds(r0, RPT)],
                              acc_sh.at[pl.ds(r0, RPT)], sem_b).wait()
        plsc.subcore_barrier()

        def body(t, carry):
            j0 = 2 * t
            start_g(j0 + 1, rows_b, sem_b)
            wait_g(j0, rows_a, sem_a)
            scat(j0, rows_a)
            start_g(j0 + 2, rows_a, sem_a)
            wait_g(j0 + 1, rows_b, sem_b)
            scat(j0 + 1, rows_b)
            return carry

        lax.fori_loop(0, (NCHUNK - 1) // 2, body, 0)
        wait_g(NCHUNK - 1, rows_a, sem_a)
        scat(NCHUNK - 1, rows_a)
        plsc.subcore_barrier()
        pltpu.sync_copy(acc_sh.at[pl.ds(r0, RPT)],
                        out_hbm.at[c, pl.ds(r0, RPT)])

    return kern(hs, src3, dst3, zeros)


def _scale1(x, W1, degp):

    def body(x_ref, w_ref, degp_ref, hs_ref, rns_ref):
        p = degp_ref[...]
        deg = p[0, :N, 0:1] + p[1, :N, 0:1]
        rns = lax.rsqrt(jnp.maximum(deg, 1.0))
        rns_ref[...] = rns
        h = jnp.dot(x_ref[...], w_ref[...],
                    preferred_element_type=jnp.float32) * rns
        hs_ref[:, :HIDDEN] = h
        hs_ref[:, HIDDEN:] = jnp.zeros((N, W - HIDDEN), jnp.float32)

    return pl.pallas_call(
        body,
        out_shape=(jax.ShapeDtypeStruct((N, W), jnp.float32),
                   jax.ShapeDtypeStruct((N, 1), jnp.float32)),
    )(x, W1, degp)


def _mid(parts, rns, b1, W2):

    def body(p_ref, rns_ref, b_ref, w_ref, o_ref):
        p = p_ref[...]
        rns = rns_ref[...]
        h = jnp.maximum(rns * (p[0, :N, :HIDDEN] + p[1, :N, :HIDDEN])
                        + b_ref[...], 0.0)
        o_ref[:, :HIDDEN] = jnp.dot(h, w_ref[...],
                                    preferred_element_type=jnp.float32) * rns
        o_ref[:, HIDDEN:] = jnp.zeros((N, W - HIDDEN), jnp.float32)

    return pl.pallas_call(
        body, out_shape=jax.ShapeDtypeStruct((N, W), jnp.float32),
    )(parts, rns, b1, W2)


def _head(parts, rns, b2, seg, Wd, bd, Wo, bo):

    def body(p_ref, rns_ref, b_ref, seg_ref, wd_ref, bd_ref, wo_ref, bo_ref,
             o_ref):
        p = p_ref[...]
        h2 = jnp.maximum(rns_ref[...] * (p[0, :N, :HIDDEN] + p[1, :N, :HIDDEN])
                         + b_ref[...], 0.0)
        gid = lax.broadcasted_iota(jnp.int32, (N_GRAPHS, N), 0)
        mask = jnp.where(gid == seg_ref[...], 1.0, 0.0)
        hi = h2.astype(jnp.bfloat16).astype(jnp.float32)
        lo = h2 - hi
        g = (jnp.dot(mask, hi, preferred_element_type=jnp.float32)
             + jnp.dot(mask, lo, preferred_element_type=jnp.float32))
        g = jnp.maximum(
            jnp.dot(g, wd_ref[...], preferred_element_type=jnp.float32)
            + bd_ref[...], 0.0)
        o_ref[...] = (jnp.dot(g, wo_ref[...],
                              preferred_element_type=jnp.float32)
                      + bo_ref[...])

    return pl.pallas_call(
        body, out_shape=jax.ShapeDtypeStruct((N_GRAPHS, 1), jnp.float32),
    )(parts, rns, b2, seg, Wd, bd, Wo, bo)


def kernel(x, edge_index, i, W1, b1, W2, b2, Wd, bd, Wo, bo):
    pad = NCH_ALLOC * CHUNK - EPW
    src2 = edge_index[0].reshape(NW, EPW)
    dst3 = jnp.pad(edge_index[1].reshape(NW, EPW), ((0, 0), (0, pad)),
                   constant_values=N_PAD - 1).reshape(NW, NCH_ALLOC, CHUNK)
    ones = jnp.ones((CHUNK, W), jnp.float32)
    zeros = jnp.zeros((N_PAD, W), jnp.float32)

    degp = _deg_partial(dst3, ones, zeros)
    hs1, rns = _scale1(x, W1, degp)
    p1 = _prop_partial(hs1, src2, dst3, zeros)
    hs2 = _mid(p1, rns, b1.reshape(1, HIDDEN), W2)
    p2 = _prop_partial(hs2, src2, dst3, zeros)
    out = _head(p2, rns, b2.reshape(1, HIDDEN), i.reshape(1, N),
                Wd, bd.reshape(1, HIDDEN), Wo, bo.reshape(1, 1))
    return out

# --- scband reference (transcript-rebuilt; emitter-appended) ---
"""Pipeline reference for scband-two-layer-gcn-11897059410286 (READ-ONLY COPY).

The authoritative reference and input builder live on the scoring server;
editing this copy changes nothing except your own understanding.
"""

import jax, jax.numpy as jnp
import numpy as np

N = 10000
E = 320000
D_FEAT = 128
HIDDEN = 64
N_GRAPHS = 64

def setup_inputs(seed: int = 0) -> dict:
    key = jax.random.key(seed)
    ks = jax.random.split(key, 12)
    x = jax.random.normal(ks[0], (N, D_FEAT), dtype=jnp.float32)
    edge_index = jax.random.randint(ks[1], (2, E), 0, N, dtype=jnp.int32)
    i = jnp.sort(jax.random.randint(ks[2], (N,), 0, N_GRAPHS, dtype=jnp.int32))
    W1 = jax.random.normal(ks[3], (D_FEAT, HIDDEN), dtype=jnp.float32) * (1.0 / np.sqrt(D_FEAT))
    b1 = jnp.zeros((HIDDEN,), dtype=jnp.float32)
    W2 = jax.random.normal(ks[4], (HIDDEN, HIDDEN), dtype=jnp.float32) * (1.0 / np.sqrt(HIDDEN))
    b2 = jnp.zeros((HIDDEN,), dtype=jnp.float32)
    Wd = jax.random.normal(ks[5], (HIDDEN, HIDDEN), dtype=jnp.float32) * (1.0 / np.sqrt(HIDDEN))
    bd = jnp.zeros((HIDDEN,), dtype=jnp.float32)
    Wo = jax.random.normal(ks[6], (HIDDEN, 1), dtype=jnp.float32) * (1.0 / np.sqrt(HIDDEN))
    bo = jnp.zeros((1,), dtype=jnp.float32)
    return {"x": x, "edge_index": edge_index, "i": i, "W1": W1, "b1": b1, "W2": W2, "b2": b2, "Wd": Wd, "bd": bd, "Wo": Wo, "bo": bo}

def reference(x, edge_index, i, W1, b1, W2, b2, Wd, bd, Wo, bo):
    src = edge_index[0]
    dst = edge_index[1]
    # symmetric GCN normalization computed from the edge list
    deg = jnp.zeros((N,), dtype=jnp.float32).at[dst].add(1.0)
    deg = jnp.clip(deg, 1.0, None)
    norm = jax.lax.rsqrt(deg[src]) * jax.lax.rsqrt(deg[dst])

    def gcn_conv(h, W, b):
        # Spektral GCNConv order: transform first (X @ W), then propagate (A_hat @ .)
        h = h @ W
        msg = jnp.take(h, src, axis=0) * norm[:, None]
        agg = jnp.zeros((N, W.shape[1]), dtype=jnp.float32).at[dst].add(msg)
        return jax.nn.relu(agg + b)

    h1 = gcn_conv(x, W1, b1)
    # dropout rate 0.0 -> identity
    h2 = gcn_conv(h1, W2, b2)
    # GlobalSumPool over graph batch index i
    g = jax.ops.segment_sum(h2, i, num_segments=N_GRAPHS)
    g = jax.nn.relu(g @ Wd + bd)
    out = g @ Wo + bo
    return out

if __name__ == "__main__":
    import jax
    _d = setup_inputs()
    print(jax.jit(kernel)(*tuple(_d.values())))

</pallas_src>

<mosaic_0001>
#map = affine_map<(d0, d1) -> (0, 0, 0)>
#map1 = affine_map<(d0, d1) -> (0, 0)>
module attributes {stable_mosaic.version = 14 : i64} {
  func.func @kern(%arg0: i32, %arg1: i32, %arg2: memref<32x128x80xi32, #tpu.memory_space<hbm>>, %arg3: memref<80x128xf32, #tpu.memory_space<hbm>>, %arg4: memref<10240x128xf32, #tpu.memory_space<hbm>>, %arg5: memref<2x10240x128xf32, #tpu.memory_space<hbm>>, %arg6: memref<128x80xi32, #tpu.memory_space<vmem>>, %arg7: memref<80x128xf32, #tpu.memory_space<vmem>>, %arg8: memref<10240x128xf32, #tpu.memory_space<vmem_shared>>, %arg9: memref<!tpu.dma_semaphore, #tpu.memory_space<semaphore_mem>>) attributes {dimension_semantics = [#tpu.dimension_semantics<core_parallel>, #tpu.dimension_semantics<subcore_parallel>], iteration_bounds = array<i64: 2, 16>, scalar_prefetch = 0 : i64, scratch_operands = 4 : i64, tpu.core_type = #tpu.core_type<sc_vector_subcore>, window_params = [{transform_indices = #map}, {transform_indices = #map1}, {transform_indices = #map1}, {transform_indices = #map}]} {
    %mul3A = arith.constant 16 : i32
    %mul3A_0 = arith.muli %arg0, %mul3A : i32
    %add3A = arith.addi %mul3A_0, %arg1 : i32
    %mul3A_1 = arith.constant 640 : i32
    %mul3A_2 = arith.muli %arg1, %mul3A_1 : i32
    %dma_start3A = arith.constant 0 : i32
    %dma_start3A_3 = tpu.memref_slice %arg8[%mul3A_2, %dma_start3A] : memref<10240x128xf32, #tpu.memory_space<vmem_shared>> -> memref<640x128xf32, #tpu.memory_space<vmem_shared>>
    %dma_start3A_4 = arith.constant 0 : i32
    %dma_start3A_5 = tpu.memref_slice %arg4[%mul3A_2, %dma_start3A_4] : memref<10240x128xf32, #tpu.memory_space<hbm>> -> memref<640x128xf32, #tpu.memory_space<hbm>>
    tpu.enqueue_dma source(%dma_start3A_5 : memref<640x128xf32, #tpu.memory_space<hbm>>) target(%dma_start3A_3 : memref<640x128xf32, #tpu.memory_space<vmem_shared>>) target_semaphore(%arg9 : memref<!tpu.dma_semaphore, #tpu.memory_space<semaphore_mem>>)
    "tpu.region"() ({
      %run_scoped3A = tpu.sem_alloc : memref<!tpu.dma_semaphore, #tpu.memory_space<semaphore_mem>>
      tpu.enqueue_dma source(%arg3 : memref<80x128xf32, #tpu.memory_space<hbm>>) target(%arg7 : memref<80x128xf32, #tpu.memory_space<vmem>>) target_semaphore(%run_scoped3A : memref<!tpu.dma_semaphore, #tpu.memory_space<semaphore_mem>>)
      tpu.wait_dma2 semaphore(%run_scoped3A : memref<!tpu.dma_semaphore, #tpu.memory_space<semaphore_mem>>) src(%arg3 : memref<80x128xf32, #tpu.memory_space<hbm>>) dst(%arg7 : memref<80x128xf32, #tpu.memory_space<vmem>>)
      tpu.yield
    }) : () -> ()
    "tpu.region"() ({
      %run_scoped3A = tpu.sem_alloc : memref<!tpu.dma_semaphore, #tpu.memory_space<semaphore_mem>>
      %dma_start3A_21 = arith.constant 0 : i32
      %dma_start3A_22 = arith.constant 0 : i32
      %dma_start3A_23 = tpu.memref_slice %arg2[%add3A, %dma_start3A_21, %dma_start3A_22] : memref<32x128x80xi32, #tpu.memory_space<hbm>> -> memref<1x128x80xi32, #tpu.memory_space<hbm>>
      %dma_start3A_24 = tpu.memref_squeeze %dma_start3A_23 : memref<1x128x80xi32, #tpu.memory_space<hbm>> -> memref<128x80xi32, #tpu.memory_space<hbm>>
      %dma_start3A_25 = arith.constant 0 : i32
      %dma_start3A_26 = arith.constant 0 : i32
      %dma_start3A_27 = tpu.memref_slice %arg2[%add3A, %dma_start3A_25, %dma_start3A_26] : memref<32x128x80xi32, #tpu.memory_space<hbm>> -> memref<1x128x80xi32, #tpu.memory_space<hbm>>
      %dma_start3A_28 = tpu.memref_squeeze %dma_start3A_27 : memref<1x128x80xi32, #tpu.memory_space<hbm>> -> memref<128x80xi32, #tpu.memory_space<hbm>>
      tpu.enqueue_dma source(%dma_start3A_28 : memref<128x80xi32, #tpu.memory_space<hbm>>) target(%arg6 : memref<128x80xi32, #tpu.memory_space<vmem>>) target_semaphore(%run_scoped3A : memref<!tpu.dma_semaphore, #tpu.memory_space<semaphore_mem>>)
      %dma_wait3A_29 = arith.constant 0 : i32
      %dma_wait3A_30 = arith.constant 0 : i32
      %dma_wait3A_31 = tpu.memref_slice %arg2[%add3A, %dma_wait3A_29, %dma_wait3A_30] : memref<32x128x80xi32, #tpu.memory_space<hbm>> -> memref<1x128x80xi32, #tpu.memory_space<hbm>>
      %dma_wait3A_32 = tpu.memref_squeeze %dma_wait3A_31 : memref<1x128x80xi32, #tpu.memory_space<hbm>> -> memref<128x80xi32, #tpu.memory_space<hbm>>
      %dma_wait3A_33 = arith.constant 0 : i32
      %dma_wait3A_34 = arith.constant 0 : i32
      %dma_wait3A_35 = tpu.memref_slice %arg2[%add3A, %dma_wait3A_33, %dma_wait3A_34] : memref<32x128x80xi32, #tpu.memory_space<hbm>> -> memref<1x128x80xi32, #tpu.memory_space<hbm>>
      %dma_wait3A_36 = tpu.memref_squeeze %dma_wait3A_35 : memref<1x128x80xi32, #tpu.memory_space<hbm>> -> memref<128x80xi32, #tpu.memory_space<hbm>>
      tpu.wait_dma2 semaphore(%run_scoped3A : memref<!tpu.dma_semaphore, #tpu.memory_space<semaphore_mem>>) src(%dma_wait3A_36 : memref<128x80xi32, #tpu.memory_space<hbm>>) dst(%arg6 : memref<128x80xi32, #tpu.memory_space<vmem>>)
      tpu.yield
    }) : () -> ()
    %dma_wait3A = arith.constant 0 : i32
    %dma_wait3A_6 = tpu.memref_slice %arg8[%mul3A_2, %dma_wait3A] : memref<10240x128xf32, #tpu.memory_space<vmem_shared>> -> memref<640x128xf32, #tpu.memory_space<vmem_shared>>
    %dma_wait3A_7 = arith.constant 0 : i32
    %dma_wait3A_8 = tpu.memref_slice %arg4[%mul3A_2, %dma_wait3A_7] : memref<10240x128xf32, #tpu.memory_space<hbm>> -> memref<640x128xf32, #tpu.memory_space<hbm>>
    tpu.wait_dma2 semaphore(%arg9 : memref<!tpu.dma_semaphore, #tpu.memory_space<semaphore_mem>>) src(%dma_wait3A_8 : memref<640x128xf32, #tpu.memory_space<hbm>>) dst(%dma_wait3A_6 : memref<640x128xf32, #tpu.memory_space<vmem_shared>>)
    %barrier3A = arith.constant 0 : index
    tpu.barrier barrier_id(%barrier3A)
    %scan3A = arith.constant 0 : i32
    %scan3A_9 = arith.constant 0 : i32
    %scan3A_10 = arith.constant 125 : i32
    %scan3A_11 = arith.addi %scan3A_9, %scan3A_10 : i32
    %scan3A_12 = arith.constant 1 : i32
    scf.for %scan3A_21 = %scan3A_9 to %scan3A_11 step %scan3A_12  : i32 {
      %dma_start3A_22 = arith.constant 0 : i32
      %dma_start3A_23 = tpu.memref_slice %arg6[%scan3A_21, %dma_start3A_22] : memref<128x80xi32, #tpu.memory_space<vmem>> -> memref<1x80xi32, #tpu.memory_space<vmem>>
      %dma_start3A_24 = tpu.memref_squeeze %dma_start3A_23 : memref<1x80xi32, #tpu.memory_space<vmem>> -> memref<80xi32, #tpu.memory_space<vmem>>
      %dma_start3A_25 = arith.constant 0 : i32
      %dma_start3A_26 = arith.constant 0 : i32
      %dma_start3A_27 = tpu.memref_slice %arg8[%dma_start3A_25, %dma_start3A_26] : memref<10240x128xf32, #tpu.memory_space<vmem_shared>> -> memref<10240x128xf32, #tpu.memory_space<vmem_shared>>
      tpu.enqueue_indirect_dma source(%arg7 : memref<80x128xf32, #tpu.memory_space<vmem>>) target(%dma_start3A_27 : memref<10240x128xf32, #tpu.memory_space<vmem_shared>>) offsets(%dma_start3A_24 : memref<80xi32, #tpu.memory_space<vmem>>) semaphore(%arg9 : memref<!tpu.dma_semaphore, #tpu.memory_space<semaphore_mem>>) {add = true}
    }
    %scan3A_13 = arith.constant 125 : i32
    %scan3A_14 = arith.constant 0 : i32
    %scan3A_15 = arith.constant 0 : i32
    %scan3A_16 = arith.constant 125 : i32
    %scan3A_17 = arith.addi %scan3A_15, %scan3A_16 : i32
    %scan3A_18 = arith.constant 1 : i32
    scf.for %scan3A_21 = %scan3A_15 to %scan3A_17 step %scan3A_18  : i32 {
      %dma_wait3A_22 = arith.constant 0 : i32
      %dma_wait3A_23 = tpu.memref_slice %arg6[%scan3A_21, %dma_wait3A_22] : memref<128x80xi32, #tpu.memory_space<vmem>> -> memref<1x80xi32, #tpu.memory_space<vmem>>
      %dma_wait3A_24 = tpu.memref_squeeze %dma_wait3A_23 : memref<1x80xi32, #tpu.memory_space<vmem>> -> memref<80xi32, #tpu.memory_space<vmem>>
      %dma_wait3A_25 = arith.constant 0 : i32
      %dma_wait3A_26 = arith.constant 0 : i32
      %dma_wait3A_27 = tpu.memref_slice %arg8[%dma_wait3A_25, %dma_wait3A_26] : memref<10240x128xf32, #tpu.memory_space<vmem_shared>> -> memref<10240x128xf32, #tpu.memory_space<vmem_shared>>
      tpu.wait_indirect_dma semaphore(%arg9 : memref<!tpu.dma_semaphore, #tpu.memory_space<semaphore_mem>>) src(%arg7 : memref<80x128xf32, #tpu.memory_space<vmem>>) dst(%dma_wait3A_27 : memref<10240x128xf32, #tpu.memory_space<vmem_shared>>)
    }
    %scan3A_19 = arith.constant 125 : i32
    %barrier3A_20 = arith.constant 0 : index
    tpu.barrier barrier_id(%barrier3A_20)
    "tpu.region"() ({
      %run_scoped3A = tpu.sem_alloc : memref<!tpu.dma_semaphore, #tpu.memory_space<semaphore_mem>>
      %dma_start3A_21 = arith.constant 0 : i32
      %dma_start3A_22 = tpu.memref_slice %arg5[%arg0, %mul3A_2, %dma_start3A_21] : memref<2x10240x128xf32, #tpu.memory_space<hbm>> -> memref<1x640x128xf32, #tpu.memory_space<hbm>>
      %dma_start3A_23 = tpu.memref_squeeze %dma_start3A_22 : memref<1x640x128xf32, #tpu.memory_space<hbm>> -> memref<640x128xf32, #tpu.memory_space<hbm>>
      %dma_start3A_24 = arith.constant 0 : i32
      %dma_start3A_25 = tpu.memref_slice %arg8[%mul3A_2, %dma_start3A_24] : memref<10240x128xf32, #tpu.memory_space<vmem_shared>> -> memref<640x128xf32, #tpu.memory_space<vmem_shared>>
      tpu.enqueue_dma source(%dma_start3A_25 : memref<640x128xf32, #tpu.memory_space<vmem_shared>>) target(%dma_start3A_23 : memref<640x128xf32, #tpu.memory_space<hbm>>) target_semaphore(%run_scoped3A : memref<!tpu.dma_semaphore, #tpu.memory_space<semaphore_mem>>)
      %dma_wait3A_26 = arith.constant 0 : i32
      %dma_wait3A_27 = tpu.memref_slice %arg5[%arg0, %mul3A_2, %dma_wait3A_26] : memref<2x10240x128xf32, #tpu.memory_space<hbm>> -> memref<1x640x128xf32, #tpu.memory_space<hbm>>
      %dma_wait3A_28 = tpu.memref_squeeze %dma_wait3A_27 : memref<1x640x128xf32, #tpu.memory_space<hbm>> -> memref<640x128xf32, #tpu.memory_space<hbm>>
      %dma_wait3A_29 = arith.constant 0 : i32
      %dma_wait3A_30 = tpu.memref_slice %arg8[%mul3A_2, %dma_wait3A_29] : memref<10240x128xf32, #tpu.memory_space<vmem_shared>> -> memref<640x128xf32, #tpu.memory_space<vmem_shared>>
      tpu.wait_dma2 semaphore(%run_scoped3A : memref<!tpu.dma_semaphore, #tpu.memory_space<semaphore_mem>>) src(%dma_wait3A_30 : memref<640x128xf32, #tpu.memory_space<vmem_shared>>) dst(%dma_wait3A_28 : memref<640x128xf32, #tpu.memory_space<hbm>>)
      tpu.yield
    }) : () -> ()
    return
  }
}

#map = affine_map<(d0, d1) -> (0, 0)>
#map1 = affine_map<(d0, d1) -> (0, 0, 0)>
module attributes {stable_mosaic.version = 14 : i64} {
  func.func @kern(%arg0: i32, %arg1: i32, %arg2: memref<10000x128xf32, #tpu.memory_space<hbm>>, %arg3: memref<32x10000xi32, #tpu.memory_space<hbm>>, %arg4: memref<32x128x80xi32, #tpu.memory_space<hbm>>, %arg5: memref<10240x128xf32, #tpu.memory_space<hbm>>, %arg6: memref<2x10240x128xf32, #tpu.memory_space<hbm>>, %arg7: memref<10000xi32, #tpu.memory_space<vmem>>, %arg8: memref<128x80xi32, #tpu.memory_space<vmem>>, %arg9: memref<80x128xf32, #tpu.memory_space<vmem>>, %arg10: memref<80x128xf32, #tpu.memory_space<vmem>>, %arg11: memref<10240x128xf32, #tpu.memory_space<vmem_shared>>, %arg12: memref<!tpu.dma_semaphore, #tpu.memory_space<semaphore_mem>>, %arg13: memref<!tpu.dma_semaphore, #tpu.memory_space<semaphore_mem>>) attributes {dimension_semantics = [#tpu.dimension_semantics<core_parallel>, #tpu.dimension_semantics<subcore_parallel>], iteration_bounds = array<i64: 2, 16>, scalar_prefetch = 0 : i64, scratch_operands = 7 : i64, tpu.core_type = #tpu.core_type<sc_vector_subcore>, window_params = [{transform_indices = #map}, {transform_indices = #map}, {transform_indices = #map1}, {transform_indices = #map}, {transform_indices = #map1}]} {
    %mul3A = arith.constant 16 : i32
    %mul3A_0 = arith.muli %arg0, %mul3A : i32
    %add3A = arith.addi %mul3A_0, %arg1 : i32
    %mul3A_1 = arith.constant 640 : i32
    %mul3A_2 = arith.muli %arg1, %mul3A_1 : i32
    %dma_start3A = arith.constant 0 : i32
    %dma_start3A_3 = tpu.memref_slice %arg11[%mul3A_2, %dma_start3A] : memref<10240x128xf32, #tpu.memory_space<vmem_shared>> -> memref<640x128xf32, #tpu.memory_space<vmem_shared>>
    %dma_start3A_4 = arith.constant 0 : i32
    %dma_start3A_5 = tpu.memref_slice %arg5[%mul3A_2, %dma_start3A_4] : memref<10240x128xf32, #tpu.memory_space<hbm>> -> memref<640x128xf32, #tpu.memory_space<hbm>>
    tpu.enqueue_dma source(%dma_start3A_5 : memref<640x128xf32, #tpu.memory_space<hbm>>) target(%dma_start3A_3 : memref<640x128xf32, #tpu.memory_space<vmem_shared>>) target_semaphore(%arg13 : memref<!tpu.dma_semaphore, #tpu.memory_space<semaphore_mem>>)
    "tpu.region"() ({
      %run_scoped3A_25 = tpu.sem_alloc : memref<!tpu.dma_semaphore, #tpu.memory_space<semaphore_mem>>
      %dma_start3A_26 = arith.constant 0 : i32
      %dma_start3A_27 = tpu.memref_slice %arg3[%add3A, %dma_start3A_26] : memref<32x10000xi32, #tpu.memory_space<hbm>> -> memref<1x10000xi32, #tpu.memory_space<hbm>>
      %dma_start3A_28 = tpu.memref_squeeze %dma_start3A_27 : memref<1x10000xi32, #tpu.memory_space<hbm>> -> memref<10000xi32, #tpu.memory_space<hbm>>
      %dma_start3A_29 = arith.constant 0 : i32
      %dma_start3A_30 = tpu.memref_slice %arg3[%add3A, %dma_start3A_29] : memref<32x10000xi32, #tpu.memory_space<hbm>> -> memref<1x10000xi32, #tpu.memory_space<hbm>>
      %dma_start3A_31 = tpu.memref_squeeze %dma_start3A_30 : memref<1x10000xi32, #tpu.memory_space<hbm>> -> memref<10000xi32, #tpu.memory_space<hbm>>
      tpu.enqueue_dma source(%dma_start3A_31 : memref<10000xi32, #tpu.memory_space<hbm>>) target(%arg7 : memref<10000xi32, #tpu.memory_space<vmem>>) target_semaphore(%run_scoped3A_25 : memref<!tpu.dma_semaphore, #tpu.memory_space<semaphore_mem>>)
      %dma_wait3A_32 = arith.constant 0 : i32
      %dma_wait3A_33 = tpu.memref_slice %arg3[%add3A, %dma_wait3A_32] : memref<32x10000xi32, #tpu.memory_space<hbm>> -> memref<1x10000xi32, #tpu.memory_space<hbm>>
      %dma_wait3A_34 = tpu.memref_squeeze %dma_wait3A_33 : memref<1x10000xi32, #tpu.memory_space<hbm>> -> memref<10000xi32, #tpu.memory_space<hbm>>
      %dma_wait3A_35 = arith.constant 0 : i32
      %dma_wait3A_36 = tpu.memref_slice %arg3[%add3A, %dma_wait3A_35] : memref<32x10000xi32, #tpu.memory_space<hbm>> -> memref<1x10000xi32, #tpu.memory_space<hbm>>
      %dma_wait3A_37 = tpu.memref_squeeze %dma_wait3A_36 : memref<1x10000xi32, #tpu.memory_space<hbm>> -> memref<10000xi32, #tpu.memory_space<hbm>>
      tpu.wait_dma2 semaphore(%run_scoped3A_25 : memref<!tpu.dma_semaphore, #tpu.memory_space<semaphore_mem>>) src(%dma_wait3A_37 : memref<10000xi32, #tpu.memory_space<hbm>>) dst(%arg7 : memref<10000xi32, #tpu.memory_space<vmem>>)
      tpu.yield
    }) : () -> ()
    "tpu.region"() ({
      %run_scoped3A_25 = tpu.sem_alloc : memref<!tpu.dma_semaphore, #tpu.memory_space<semaphore_mem>>
      %dma_start3A_26 = arith.constant 0 : i32
      %dma_start3A_27 = arith.constant 0 : i32
      %dma_start3A_28 = tpu.memref_slice %arg4[%add3A, %dma_start3A_26, %dma_start3A_27] : memref<32x128x80xi32, #tpu.memory_space<hbm>> -> memref<1x128x80xi32, #tpu.memory_space<hbm>>
      %dma_start3A_29 = tpu.memref_squeeze %dma_start3A_28 : memref<1x128x80xi32, #tpu.memory_space<hbm>> -> memref<128x80xi32, #tpu.memory_space<hbm>>
      %dma_start3A_30 = arith.constant 0 : i32
      %dma_start3A_31 = arith.constant 0 : i32
      %dma_start3A_32 = tpu.memref_slice %arg4[%add3A, %dma_start3A_30, %dma_start3A_31] : memref<32x128x80xi32, #tpu.memory_space<hbm>> -> memref<1x128x80xi32, #tpu.memory_space<hbm>>
      %dma_start3A_33 = tpu.memref_squeeze %dma_start3A_32 : memref<1x128x80xi32, #tpu.memory_space<hbm>> -> memref<128x80xi32, #tpu.memory_space<hbm>>
      tpu.enqueue_dma source(%dma_start3A_33 : memref<128x80xi32, #tpu.memory_space<hbm>>) target(%arg8 : memref<128x80xi32, #tpu.memory_space<vmem>>) target_semaphore(%run_scoped3A_25 : memref<!tpu.dma_semaphore, #tpu.memory_space<semaphore_mem>>)
      %dma_wait3A_34 = arith.constant 0 : i32
      %dma_wait3A_35 = arith.constant 0 : i32
      %dma_wait3A_36 = tpu.memref_slice %arg4[%add3A, %dma_wait3A_34, %dma_wait3A_35] : memref<32x128x80xi32, #tpu.memory_space<hbm>> -> memref<1x128x80xi32, #tpu.memory_space<hbm>>
      %dma_wait3A_37 = tpu.memref_squeeze %dma_wait3A_36 : memref<1x128x80xi32, #tpu.memory_space<hbm>> -> memref<128x80xi32, #tpu.memory_space<hbm>>
      %dma_wait3A_38 = arith.constant 0 : i32
      %dma_wait3A_39 = arith.constant 0 : i32
      %dma_wait3A_40 = tpu.memref_slice %arg4[%add3A, %dma_wait3A_38, %dma_wait3A_39] : memref<32x128x80xi32, #tpu.memory_space<hbm>> -> memref<1x128x80xi32, #tpu.memory_space<hbm>>
      %dma_wait3A_41 = tpu.memref_squeeze %dma_wait3A_40 : memref<1x128x80xi32, #tpu.memory_space<hbm>> -> memref<128x80xi32, #tpu.memory_space<hbm>>
      tpu.wait_dma2 semaphore(%run_scoped3A_25 : memref<!tpu.dma_semaphore, #tpu.memory_space<semaphore_mem>>) src(%dma_wait3A_41 : memref<128x80xi32, #tpu.memory_space<hbm>>) dst(%arg8 : memref<128x80xi32, #tpu.memory_space<vmem>>)
      tpu.yield
    }) : () -> ()
    %dma_start3A_6 = arith.constant 0 : i32
    %dma_start3A_7 = tpu.memref_slice %arg7[%dma_start3A_6] : memref<10000xi32, #tpu.memory_space<vmem>> -> memref<80xi32, #tpu.memory_space<vmem>>
    %dma_start3A_8 = arith.constant 0 : i32
    %dma_start3A_9 = arith.constant 0 : i32
    %dma_start3A_10 = tpu.memref_slice %arg2[%dma_start3A_8, %dma_start3A_9] : memref<10000x128xf32, #tpu.memory_space<hbm>> -> memref<10000x128xf32, #tpu.memory_space<hbm>>
    tpu.enqueue_indirect_dma source(%dma_start3A_10 : memref<10000x128xf32, #tpu.memory_space<hbm>>) target(%arg9 : memref<80x128xf32, #tpu.memory_space<vmem>>) offsets(%dma_start3A_7 : memref<80xi32, #tpu.memory_space<vmem>>) semaphore(%arg12 : memref<!tpu.dma_semaphore, #tpu.memory_space<semaphore_mem>>)
    %dma_wait3A = arith.constant 0 : i32
    %dma_wait3A_11 = tpu.memref_slice %arg11[%mul3A_2, %dma_wait3A] : memref<10240x128xf32, #tpu.memory_space<vmem_shared>> -> memref<640x128xf32, #tpu.memory_space<vmem_shared>>
    %dma_wait3A_12 = arith.constant 0 : i32
    %dma_wait3A_13 = tpu.memref_slice %arg5[%mul3A_2, %dma_wait3A_12] : memref<10240x128xf32, #tpu.memory_space<hbm>> -> memref<640x128xf32, #tpu.memory_space<hbm>>
    tpu.wait_dma2 semaphore(%arg13 : memref<!tpu.dma_semaphore, #tpu.memory_space<semaphore_mem>>) src(%dma_wait3A_13 : memref<640x128xf32, #tpu.memory_space<hbm>>) dst(%dma_wait3A_11 : memref<640x128xf32, #tpu.memory_space<vmem_shared>>)
    %barrier3A = arith.constant 0 : index
    tpu.barrier barrier_id(%barrier3A)
    %scan3A = arith.constant 0 : i32
    %scan3A_14 = arith.constant 0 : i32
    %scan3A_15 = arith.constant 62 : i32
    %scan3A_16 = arith.addi %scan3A_14, %scan3A_15 : i32
    %scan3A_17 = arith.constant 1 : i32
    scf.for %scan3A_25 = %scan3A_14 to %scan3A_16 step %scan3A_17  : i32 {
      %mul3A_26 = arith.constant 2 : i32
      %mul3A_27 = arith.muli %mul3A_26, %scan3A_25 : i32
      %add3A_28 = arith.constant 1 : i32
      %add3A_29 = arith.addi %mul3A_27, %add3A_28 : i32
      %mul3A_30 = arith.constant 80 : i32
      %mul3A_31 = arith.muli %add3A_29, %mul3A_30 : i32
      %dma_start3A_32 = tpu.memref_slice %arg7[%mul3A_31] : memref<10000xi32, #tpu.memory_space<vmem>> -> memref<80xi32, #tpu.memory_space<vmem>>
      %dma_start3A_33 = arith.constant 0 : i32
      %dma_start3A_34 = arith.constant 0 : i32
      %dma_start3A_35 = tpu.memref_slice %arg2[%dma_start3A_33, %dma_start3A_34] : memref<10000x128xf32, #tpu.memory_space<hbm>> -> memref<10000x128xf32, #tpu.memory_space<hbm>>
      tpu.enqueue_indirect_dma source(%dma_start3A_35 : memref<10000x128xf32, #tpu.memory_space<hbm>>) target(%arg10 : memref<80x128xf32, #tpu.memory_space<vmem>>) offsets(%dma_start3A_32 : memref<80xi32, #tpu.memory_space<vmem>>) semaphore(%arg13 : memref<!tpu.dma_semaphore, #tpu.memory_space<semaphore_mem>>)
      %mul3A_36 = arith.constant 80 : i32
      %mul3A_37 = arith.muli %mul3A_27, %mul3A_36 : i32
      %dma_wait3A_38 = tpu.memref_slice %arg7[%mul3A_37] : memref<10000xi32, #tpu.memory_space<vmem>> -> memref<80xi32, #tpu.memory_space<vmem>>
      %dma_wait3A_39 = arith.constant 0 : i32
      %dma_wait3A_40 = arith.constant 0 : i32
      %dma_wait3A_41 = tpu.memref_slice %arg2[%dma_wait3A_39, %dma_wait3A_40] : memref<10000x128xf32, #tpu.memory_space<hbm>> -> memref<10000x128xf32, #tpu.memory_space<hbm>>
      tpu.wait_indirect_dma semaphore(%arg12 : memref<!tpu.dma_semaphore, #tpu.memory_space<semaphore_mem>>) src(%dma_wait3A_41 : memref<10000x128xf32, #tpu.memory_space<hbm>>) dst(%arg9 : memref<80x128xf32, #tpu.memory_space<vmem>>)
      "tpu.region"() ({
        %run_scoped3A_60 = tpu.sem_alloc : memref<!tpu.dma_semaphore, #tpu.memory_space<semaphore_mem>>
        %dma_start3A_61 = arith.constant 0 : i32
        %dma_start3A_62 = tpu.memref_slice %arg8[%mul3A_27, %dma_start3A_61] : memref<128x80xi32, #tpu.memory_space<vmem>> -> memref<1x80xi32, #tpu.memory_space<vmem>>
        %dma_start3A_63 = tpu.memref_squeeze %dma_start3A_62 : memref<1x80xi32, #tpu.memory_space<vmem>> -> memref<80xi32, #tpu.memory_space<vmem>>
        %dma_start3A_64 = arith.constant 0 : i32
        %dma_start3A_65 = arith.constant 0 : i32
        %dma_start3A_66 = tpu.memref_slice %arg11[%dma_start3A_64, %dma_start3A_65] : memref<10240x128xf32, #tpu.memory_space<vmem_shared>> -> memref<10240x128xf32, #tpu.memory_space<vmem_shared>>
        tpu.enqueue_indirect_dma source(%arg9 : memref<80x128xf32, #tpu.memory_space<vmem>>) target(%dma_start3A_66 : memref<10240x128xf32, #tpu.memory_space<vmem_shared>>) offsets(%dma_start3A_63 : memref<80xi32, #tpu.memory_space<vmem>>) semaphore(%run_scoped3A_60 : memref<!tpu.dma_semaphore, #tpu.memory_space<semaphore_mem>>) {add = true}
        %dma_wait3A_67 = arith.constant 0 : i32
        %dma_wait3A_68 = tpu.memref_slice %arg8[%mul3A_27, %dma_wait3A_67] : memref<128x80xi32, #tpu.memory_space<vmem>> -> memref<1x80xi32, #tpu.memory_space<vmem>>
        %dma_wait3A_69 = tpu.memref_squeeze %dma_wait3A_68 : memref<1x80xi32, #tpu.memory_space<vmem>> -> memref<80xi32, #tpu.memory_space<vmem>>
        %dma_wait3A_70 = arith.constant 0 : i32
        %dma_wait3A_71 = arith.constant 0 : i32
        %dma_wait3A_72 = tpu.memref_slice %arg11[%dma_wait3A_70, %dma_wait3A_71] : memref<10240x128xf32, #tpu.memory_space<vmem_shared>> -> memref<10240x128xf32, #tpu.memory_space<vmem_shared>>
        tpu.wait_indirect_dma semaphore(%run_scoped3A_60 : memref<!tpu.dma_semaphore, #tpu.memory_space<semaphore_mem>>) src(%arg9 : memref<80x128xf32, #tpu.memory_space<vmem>>) dst(%dma_wait3A_72 : memref<10240x128xf32, #tpu.memory_space<vmem_shared>>)
        tpu.yield
      }) : () -> ()
      %add3A_42 = arith.constant 2 : i32
      %add3A_43 = arith.addi %mul3A_27, %add3A_42 : i32
      %mul3A_44 = arith.constant 80 : i32
      %mul3A_45 = arith.muli %add3A_43, %mul3A_44 : i32
      %dma_start3A_46 = tpu.memref_slice %arg7[%mul3A_45] : memref<10000xi32, #tpu.memory_space<vmem>> -> memref<80xi32, #tpu.memory_space<vmem>>
      %dma_start3A_47 = arith.constant 0 : i32
      %dma_start3A_48 = arith.constant 0 : i32
      %dma_start3A_49 = tpu.memref_slice %arg2[%dma_start3A_47, %dma_start3A_48] : memref<10000x128xf32, #tpu.memory_space<hbm>> -> memref<10000x128xf32, #tpu.memory_space<hbm>>
      tpu.enqueue_indirect_dma source(%dma_start3A_49 : memref<10000x128xf32, #tpu.memory_space<hbm>>) target(%arg9 : memref<80x128xf32, #tpu.memory_space<vmem>>) offsets(%dma_start3A_46 : memref<80xi32, #tpu.memory_space<vmem>>) semaphore(%arg12 : memref<!tpu.dma_semaphore, #tpu.memory_space<semaphore_mem>>)
      %add3A_50 = arith.constant 1 : i32
      %add3A_51 = arith.addi %mul3A_27, %add3A_50 : i32
      %mul3A_52 = arith.constant 80 : i32
      %mul3A_53 = arith.muli %add3A_51, %mul3A_52 : i32
      %dma_wait3A_54 = tpu.memref_slice %arg7[%mul3A_53] : memref<10000xi32, #tpu.memory_space<vmem>> -> memref<80xi32, #tpu.memory_space<vmem>>
      %dma_wait3A_55 = arith.constant 0 : i32
      %dma_wait3A_56 = arith.constant 0 : i32
      %dma_wait3A_57 = tpu.memref_slice %arg2[%dma_wait3A_55, %dma_wait3A_56] : memref<10000x128xf32, #tpu.memory_space<hbm>> -> memref<10000x128xf32, #tpu.memory_space<hbm>>
      tpu.wait_indirect_dma semaphore(%arg13 : memref<!tpu.dma_semaphore, #tpu.memory_space<semaphore_mem>>) src(%dma_wait3A_57 : memref<10000x128xf32, #tpu.memory_space<hbm>>) dst(%arg10 : memref<80x128xf32, #tpu.memory_space<vmem>>)
      %add3A_58 = arith.constant 1 : i32
      %add3A_59 = arith.addi %mul3A_27, %add3A_58 : i32
      "tpu.region"() ({
        %run_scoped3A_60 = tpu.sem_alloc : memref<!tpu.dma_semaphore, #tpu.memory_space<semaphore_mem>>
        %dma_start3A_61 = arith.constant 0 : i32
        %dma_start3A_62 = tpu.memref_slice %arg8[%add3A_59, %dma_start3A_61] : memref<128x80xi32, #tpu.memory_space<vmem>> -> memref<1x80xi32, #tpu.memory_space<vmem>>
        %dma_start3A_63 = tpu.memref_squeeze %dma_start3A_62 : memref<1x80xi32, #tpu.memory_space<vmem>> -> memref<80xi32, #tpu.memory_space<vmem>>
        %dma_start3A_64 = arith.constant 0 : i32
        %dma_start3A_65 = arith.constant 0 : i32
        %dma_start3A_66 = tpu.memref_slice %arg11[%dma_start3A_64, %dma_start3A_65] : memref<10240x128xf32, #tpu.memory_space<vmem_shared>> -> memref<10240x128xf32, #tpu.memory_space<vmem_shared>>
        tpu.enqueue_indirect_dma source(%arg10 : memref<80x128xf32, #tpu.memory_space<vmem>>) target(%dma_start3A_66 : memref<10240x128xf32, #tpu.memory_space<vmem_shared>>) offsets(%dma_start3A_63 : memref<80xi32, #tpu.memory_space<vmem>>) semaphore(%run_scoped3A_60 : memref<!tpu.dma_semaphore, #tpu.memory_space<semaphore_mem>>) {add = true}
        %dma_wait3A_67 = arith.constant 0 : i32
        %dma_wait3A_68 = tpu.memref_slice %arg8[%add3A_59, %dma_wait3A_67] : memref<128x80xi32, #tpu.memory_space<vmem>> -> memref<1x80xi32, #tpu.memory_space<vmem>>
        %dma_wait3A_69 = tpu.memref_squeeze %dma_wait3A_68 : memref<1x80xi32, #tpu.memory_space<vmem>> -> memref<80xi32, #tpu.memory_space<vmem>>
        %dma_wait3A_70 = arith.constant 0 : i32
        %dma_wait3A_71 = arith.constant 0 : i32
        %dma_wait3A_72 = tpu.memref_slice %arg11[%dma_wait3A_70, %dma_wait3A_71] : memref<10240x128xf32, #tpu.memory_space<vmem_shared>> -> memref<10240x128xf32, #tpu.memory_space<vmem_shared>>
        tpu.wait_indirect_dma semaphore(%run_scoped3A_60 : memref<!tpu.dma_semaphore, #tpu.memory_space<semaphore_mem>>) src(%arg10 : memref<80x128xf32, #tpu.memory_space<vmem>>) dst(%dma_wait3A_72 : memref<10240x128xf32, #tpu.memory_space<vmem_shared>>)
        tpu.yield
      }) : () -> ()
    }
    %scan3A_18 = arith.constant 62 : i32
    %dma_wait3A_19 = arith.constant 9920 : i32
    %dma_wait3A_20 = tpu.memref_slice %arg7[%dma_wait3A_19] : memref<10000xi32, #tpu.memory_space<vmem>> -> memref<80xi32, #tpu.memory_space<vmem>>
    %dma_wait3A_21 = arith.constant 0 : i32
    %dma_wait3A_22 = arith.constant 0 : i32
    %dma_wait3A_23 = tpu.memref_slice %arg2[%dma_wait3A_21, %dma_wait3A_22] : memref<10000x128xf32, #tpu.memory_space<hbm>> -> memref<10000x128xf32, #tpu.memory_space<hbm>>
    tpu.wait_indirect_dma semaphore(%arg12 : memref<!tpu.dma_semaphore, #tpu.memory_space<semaphore_mem>>) src(%dma_wait3A_23 : memref<10000x128xf32, #tpu.memory_space<hbm>>) dst(%arg9 : memref<80x128xf32, #tpu.memory_space<vmem>>)
    %run_scoped3A = arith.constant 124 : i32
    "tpu.region"() ({
      %run_scoped3A_25 = tpu.sem_alloc : memref<!tpu.dma_semaphore, #tpu.memory_space<semaphore_mem>>
      %dma_start3A_26 = arith.constant 0 : i32
      %dma_start3A_27 = tpu.memref_slice %arg8[%run_scoped3A, %dma_start3A_26] : memref<128x80xi32, #tpu.memory_space<vmem>> -> memref<1x80xi32, #tpu.memory_space<vmem>>
      %dma_start3A_28 = tpu.memref_squeeze %dma_start3A_27 : memref<1x80xi32, #tpu.memory_space<vmem>> -> memref<80xi32, #tpu.memory_space<vmem>>
      %dma_start3A_29 = arith.constant 0 : i32
      %dma_start3A_30 = arith.constant 0 : i32
      %dma_start3A_31 = tpu.memref_slice %arg11[%dma_start3A_29, %dma_start3A_30] : memref<10240x128xf32, #tpu.memory_space<vmem_shared>> -> memref<10240x128xf32, #tpu.memory_space<vmem_shared>>
      tpu.enqueue_indirect_dma source(%arg9 : memref<80x128xf32, #tpu.memory_space<vmem>>) target(%dma_start3A_31 : memref<10240x128xf32, #tpu.memory_space<vmem_shared>>) offsets(%dma_start3A_28 : memref<80xi32, #tpu.memory_space<vmem>>) semaphore(%run_scoped3A_25 : memref<!tpu.dma_semaphore, #tpu.memory_space<semaphore_mem>>) {add = true}
      %dma_wait3A_32 = arith.constant 0 : i32
      %dma_wait3A_33 = tpu.memref_slice %arg8[%run_scoped3A, %dma_wait3A_32] : memref<128x80xi32, #tpu.memory_space<vmem>> -> memref<1x80xi32, #tpu.memory_space<vmem>>
      %dma_wait3A_34 = tpu.memref_squeeze %dma_wait3A_33 : memref<1x80xi32, #tpu.memory_space<vmem>> -> memref<80xi32, #tpu.memory_space<vmem>>
      %dma_wait3A_35 = arith.constant 0 : i32
      %dma_wait3A_36 = arith.constant 0 : i32
      %dma_wait3A_37 = tpu.memref_slice %arg11[%dma_wait3A_35, %dma_wait3A_36] : memref<10240x128xf32, #tpu.memory_space<vmem_shared>> -> memref<10240x128xf32, #tpu.memory_space<vmem_shared>>
      tpu.wait_indirect_dma semaphore(%run_scoped3A_25 : memref<!tpu.dma_semaphore, #tpu.memory_space<semaphore_mem>>) src(%arg9 : memref<80x128xf32, #tpu.memory_space<vmem>>) dst(%dma_wait3A_37 : memref<10240x128xf32, #tpu.memory_space<vmem_shared>>)
      tpu.yield
    }) : () -> ()
    %barrier3A_24 = arith.constant 0 : index
    tpu.barrier barrier_id(%barrier3A_24)
    "tpu.region"() ({
      %run_scoped3A_25 = tpu.sem_alloc : memref<!tpu.dma_semaphore, #tpu.memory_space<semaphore_mem>>
      %dma_start3A_26 = arith.constant 0 : i32
      %dma_start3A_27 = tpu.memref_slice %arg6[%arg0, %mul3A_2, %dma_start3A_26] : memref<2x10240x128xf32, #tpu.memory_space<hbm>> -> memref<1x640x128xf32, #tpu.memory_space<hbm>>
      %dma_start3A_28 = tpu.memref_squeeze %dma_start3A_27 : memref<1x640x128xf32, #tpu.memory_space<hbm>> -> memref<640x128xf32, #tpu.memory_space<hbm>>
      %dma_start3A_29 = arith.constant 0 : i32
      %dma_start3A_30 = tpu.memref_slice %arg11[%mul3A_2, %dma_start3A_29] : memref<10240x128xf32, #tpu.memory_space<vmem_shared>> -> memref<640x128xf32, #tpu.memory_space<vmem_shared>>
      tpu.enqueue_dma source(%dma_start3A_30 : memref<640x128xf32, #tpu.memory_space<vmem_shared>>) target(%dma_start3A_28 : memref<640x128xf32, #tpu.memory_space<hbm>>) target_semaphore(%run_scoped3A_25 : memref<!tpu.dma_semaphore, #tpu.memory_space<semaphore_mem>>)
      %dma_wait3A_31 = arith.constant 0 : i32
      %dma_wait3A_32 = tpu.memref_slice %arg6[%arg0, %mul3A_2, %dma_wait3A_31] : memref<2x10240x128xf32, #tpu.memory_space<hbm>> -> memref<1x640x128xf32, #tpu.memory_space<hbm>>
      %dma_wait3A_33 = tpu.memref_squeeze %dma_wait3A_32 : memref<1x640x128xf32, #tpu.memory_space<hbm>> -> memref<640x128xf32, #tpu.memory_space<hbm>>
      %dma_wait3A_34 = arith.constant 0 : i32
      %dma_wait3A_35 = tpu.memref_slice %arg11[%mul3A_2, %dma_wait3A_34] : memref<10240x128xf32, #tpu.memory_space<vmem_shared>> -> memref<640x128xf32, #tpu.memory_space<vmem_shared>>
      tpu.wait_dma2 semaphore(%run_scoped3A_25 : memref<!tpu.dma_semaphore, #tpu.memory_space<semaphore_mem>>) src(%dma_wait3A_35 : memref<640x128xf32, #tpu.memory_space<vmem_shared>>) dst(%dma_wait3A_33 : memref<640x128xf32, #tpu.memory_space<hbm>>)
      tpu.yield
    }) : () -> ()
    return
  }
}

#map = affine_map<(d0, d1) -> (0, 0)>
#map1 = affine_map<(d0, d1) -> (0, 0, 0)>
module attributes {stable_mosaic.version = 14 : i64} {
  func.func @kern(%arg0: i32, %arg1: i32, %arg2: memref<10000x128xf32, #tpu.memory_space<hbm>>, %arg3: memref<32x10000xi32, #tpu.memory_space<hbm>>, %arg4: memref<32x128x80xi32, #tpu.memory_space<hbm>>, %arg5: memref<10240x128xf32, #tpu.memory_space<hbm>>, %arg6: memref<2x10240x128xf32, #tpu.memory_space<hbm>>, %arg7: memref<10000xi32, #tpu.memory_space<vmem>>, %arg8: memref<128x80xi32, #tpu.memory_space<vmem>>, %arg9: memref<80x128xf32, #tpu.memory_space<vmem>>, %arg10: memref<80x128xf32, #tpu.memory_space<vmem>>, %arg11: memref<10240x128xf32, #tpu.memory_space<vmem_shared>>, %arg12: memref<!tpu.dma_semaphore, #tpu.memory_space<semaphore_mem>>, %arg13: memref<!tpu.dma_semaphore, #tpu.memory_space<semaphore_mem>>) attributes {dimension_semantics = [#tpu.dimension_semantics<core_parallel>, #tpu.dimension_semantics<subcore_parallel>], iteration_bounds = array<i64: 2, 16>, scalar_prefetch = 0 : i64, scratch_operands = 7 : i64, tpu.core_type = #tpu.core_type<sc_vector_subcore>, window_params = [{transform_indices = #map}, {transform_indices = #map}, {transform_indices = #map1}, {transform_indices = #map}, {transform_indices = #map1}]} {
    %mul3A = arith.constant 16 : i32
    %mul3A_0 = arith.muli %arg0, %mul3A : i32
    %add3A = arith.addi %mul3A_0, %arg1 : i32
    %mul3A_1 = arith.constant 640 : i32
    %mul3A_2 = arith.muli %arg1, %mul3A_1 : i32
    %dma_start3A = arith.constant 0 : i32
    %dma_start3A_3 = tpu.memref_slice %arg11[%mul3A_2, %dma_start3A] : memref<10240x128xf32, #tpu.memory_space<vmem_shared>> -> memref<640x128xf32, #tpu.memory_space<vmem_shared>>
    %dma_start3A_4 = arith.constant 0 : i32
    %dma_start3A_5 = tpu.memref_slice %arg5[%mul3A_2, %dma_start3A_4] : memref<10240x128xf32, #tpu.memory_space<hbm>> -> memref<640x128xf32, #tpu.memory_space<hbm>>
    tpu.enqueue_dma source(%dma_start3A_5 : memref<640x128xf32, #tpu.memory_space<hbm>>) target(%dma_start3A_3 : memref<640x128xf32, #tpu.memory_space<vmem_shared>>) target_semaphore(%arg13 : memref<!tpu.dma_semaphore, #tpu.memory_space<semaphore_mem>>)
    "tpu.region"() ({
      %run_scoped3A_25 = tpu.sem_alloc : memref<!tpu.dma_semaphore, #tpu.memory_space<semaphore_mem>>
      %dma_start3A_26 = arith.constant 0 : i32
      %dma_start3A_27 = tpu.memref_slice %arg3[%add3A, %dma_start3A_26] : memref<32x10000xi32, #tpu.memory_space<hbm>> -> memref<1x10000xi32, #tpu.memory_space<hbm>>
      %dma_start3A_28 = tpu.memref_squeeze %dma_start3A_27 : memref<1x10000xi32, #tpu.memory_space<hbm>> -> memref<10000xi32, #tpu.memory_space<hbm>>
      %dma_start3A_29 = arith.constant 0 : i32
      %dma_start3A_30 = tpu.memref_slice %arg3[%add3A, %dma_start3A_29] : memref<32x10000xi32, #tpu.memory_space<hbm>> -> memref<1x10000xi32, #tpu.memory_space<hbm>>
      %dma_start3A_31 = tpu.memref_squeeze %dma_start3A_30 : memref<1x10000xi32, #tpu.memory_space<hbm>> -> memref<10000xi32, #tpu.memory_space<hbm>>
      tpu.enqueue_dma source(%dma_start3A_31 : memref<10000xi32, #tpu.memory_space<hbm>>) target(%arg7 : memref<10000xi32, #tpu.memory_space<vmem>>) target_semaphore(%run_scoped3A_25 : memref<!tpu.dma_semaphore, #tpu.memory_space<semaphore_mem>>)
      %dma_wait3A_32 = arith.constant 0 : i32
      %dma_wait3A_33 = tpu.memref_slice %arg3[%add3A, %dma_wait3A_32] : memref<32x10000xi32, #tpu.memory_space<hbm>> -> memref<1x10000xi32, #tpu.memory_space<hbm>>
      %dma_wait3A_34 = tpu.memref_squeeze %dma_wait3A_33 : memref<1x10000xi32, #tpu.memory_space<hbm>> -> memref<10000xi32, #tpu.memory_space<hbm>>
      %dma_wait3A_35 = arith.constant 0 : i32
      %dma_wait3A_36 = tpu.memref_slice %arg3[%add3A, %dma_wait3A_35] : memref<32x10000xi32, #tpu.memory_space<hbm>> -> memref<1x10000xi32, #tpu.memory_space<hbm>>
      %dma_wait3A_37 = tpu.memref_squeeze %dma_wait3A_36 : memref<1x10000xi32, #tpu.memory_space<hbm>> -> memref<10000xi32, #tpu.memory_space<hbm>>
      tpu.wait_dma2 semaphore(%run_scoped3A_25 : memref<!tpu.dma_semaphore, #tpu.memory_space<semaphore_mem>>) src(%dma_wait3A_37 : memref<10000xi32, #tpu.memory_space<hbm>>) dst(%arg7 : memref<10000xi32, #tpu.memory_space<vmem>>)
      tpu.yield
    }) : () -> ()
    "tpu.region"() ({
      %run_scoped3A_25 = tpu.sem_alloc : memref<!tpu.dma_semaphore, #tpu.memory_space<semaphore_mem>>
      %dma_start3A_26 = arith.constant 0 : i32
      %dma_start3A_27 = arith.constant 0 : i32
      %dma_start3A_28 = tpu.memref_slice %arg4[%add3A, %dma_start3A_26, %dma_start3A_27] : memref<32x128x80xi32, #tpu.memory_space<hbm>> -> memref<1x128x80xi32, #tpu.memory_space<hbm>>
      %dma_start3A_29 = tpu.memref_squeeze %dma_start3A_28 : memref<1x128x80xi32, #tpu.memory_space<hbm>> -> memref<128x80xi32, #tpu.memory_space<hbm>>
      %dma_start3A_30 = arith.constant 0 : i32
      %dma_start3A_31 = arith.constant 0 : i32
      %dma_start3A_32 = tpu.memref_slice %arg4[%add3A, %dma_start3A_30, %dma_start3A_31] : memref<32x128x80xi32, #tpu.memory_space<hbm>> -> memref<1x128x80xi32, #tpu.memory_space<hbm>>
      %dma_start3A_33 = tpu.memref_squeeze %dma_start3A_32 : memref<1x128x80xi32, #tpu.memory_space<hbm>> -> memref<128x80xi32, #tpu.memory_space<hbm>>
      tpu.enqueue_dma source(%dma_start3A_33 : memref<128x80xi32, #tpu.memory_space<hbm>>) target(%arg8 : memref<128x80xi32, #tpu.memory_space<vmem>>) target_semaphore(%run_scoped3A_25 : memref<!tpu.dma_semaphore, #tpu.memory_space<semaphore_mem>>)
      %dma_wait3A_34 = arith.constant 0 : i32
      %dma_wait3A_35 = arith.constant 0 : i32
      %dma_wait3A_36 = tpu.memref_slice %arg4[%add3A, %dma_wait3A_34, %dma_wait3A_35] : memref<32x128x80xi32, #tpu.memory_space<hbm>> -> memref<1x128x80xi32, #tpu.memory_space<hbm>>
      %dma_wait3A_37 = tpu.memref_squeeze %dma_wait3A_36 : memref<1x128x80xi32, #tpu.memory_space<hbm>> -> memref<128x80xi32, #tpu.memory_space<hbm>>
      %dma_wait3A_38 = arith.constant 0 : i32
      %dma_wait3A_39 = arith.constant 0 : i32
      %dma_wait3A_40 = tpu.memref_slice %arg4[%add3A, %dma_wait3A_38, %dma_wait3A_39] : memref<32x128x80xi32, #tpu.memory_space<hbm>> -> memref<1x128x80xi32, #tpu.memory_space<hbm>>
      %dma_wait3A_41 = tpu.memref_squeeze %dma_wait3A_40 : memref<1x128x80xi32, #tpu.memory_space<hbm>> -> memref<128x80xi32, #tpu.memory_space<hbm>>
      tpu.wait_dma2 semaphore(%run_scoped3A_25 : memref<!tpu.dma_semaphore, #tpu.memory_space<semaphore_mem>>) src(%dma_wait3A_41 : memref<128x80xi32, #tpu.memory_space<hbm>>) dst(%arg8 : memref<128x80xi32, #tpu.memory_space<vmem>>)
      tpu.yield
    }) : () -> ()
    %dma_start3A_6 = arith.constant 0 : i32
    %dma_start3A_7 = tpu.memref_slice %arg7[%dma_start3A_6] : memref<10000xi32, #tpu.memory_space<vmem>> -> memref<80xi32, #tpu.memory_space<vmem>>
    %dma_start3A_8 = arith.constant 0 : i32
    %dma_start3A_9 = arith.constant 0 : i32
    %dma_start3A_10 = tpu.memref_slice %arg2[%dma_start3A_8, %dma_start3A_9] : memref<10000x128xf32, #tpu.memory_space<hbm>> -> memref<10000x128xf32, #tpu.memory_space<hbm>>
    tpu.enqueue_indirect_dma source(%dma_start3A_10 : memref<10000x128xf32, #tpu.memory_space<hbm>>) target(%arg9 : memref<80x128xf32, #tpu.memory_space<vmem>>) offsets(%dma_start3A_7 : memref<80xi32, #tpu.memory_space<vmem>>) semaphore(%arg12 : memref<!tpu.dma_semaphore, #tpu.memory_space<semaphore_mem>>)
    %dma_wait3A = arith.constant 0 : i32
    %dma_wait3A_11 = tpu.memref_slice %arg11[%mul3A_2, %dma_wait3A] : memref<10240x128xf32, #tpu.memory_space<vmem_shared>> -> memref<640x128xf32, #tpu.memory_space<vmem_shared>>
    %dma_wait3A_12 = arith.constant 0 : i32
    %dma_wait3A_13 = tpu.memref_slice %arg5[%mul3A_2, %dma_wait3A_12] : memref<10240x128xf32, #tpu.memory_space<hbm>> -> memref<640x128xf32, #tpu.memory_space<hbm>>
    tpu.wait_dma2 semaphore(%arg13 : memref<!tpu.dma_semaphore, #tpu.memory_space<semaphore_mem>>) src(%dma_wait3A_13 : memref<640x128xf32, #tpu.memory_space<hbm>>) dst(%dma_wait3A_11 : memref<640x128xf32, #tpu.memory_space<vmem_shared>>)
    %barrier3A = arith.constant 0 : index
    tpu.barrier barrier_id(%barrier3A)
    %scan3A = arith.constant 0 : i32
    %scan3A_14 = arith.constant 0 : i32
    %scan3A_15 = arith.constant 62 : i32
    %scan3A_16 = arith.addi %scan3A_14, %scan3A_15 : i32
    %scan3A_17 = arith.constant 1 : i32
    scf.for %scan3A_25 = %scan3A_14 to %scan3A_16 step %scan3A_17  : i32 {
      %mul3A_26 = arith.constant 2 : i32
      %mul3A_27 = arith.muli %mul3A_26, %scan3A_25 : i32
      %add3A_28 = arith.constant 1 : i32
      %add3A_29 = arith.addi %mul3A_27, %add3A_28 : i32
      %mul3A_30 = arith.constant 80 : i32
      %mul3A_31 = arith.muli %add3A_29, %mul3A_30 : i32
      %dma_start3A_32 = tpu.memref_slice %arg7[%mul3A_31] : memref<10000xi32, #tpu.memory_space<vmem>> -> memref<80xi32, #tpu.memory_space<vmem>>
      %dma_start3A_33 = arith.constant 0 : i32
      %dma_start3A_34 = arith.constant 0 : i32
      %dma_start3A_35 = tpu.memref_slice %arg2[%dma_start3A_33, %dma_start3A_34] : memref<10000x128xf32, #tpu.memory_space<hbm>> -> memref<10000x128xf32, #tpu.memory_space<hbm>>
      tpu.enqueue_indirect_dma source(%dma_start3A_35 : memref<10000x128xf32, #tpu.memory_space<hbm>>) target(%arg10 : memref<80x128xf32, #tpu.memory_space<vmem>>) offsets(%dma_start3A_32 : memref<80xi32, #tpu.memory_space<vmem>>) semaphore(%arg13 : memref<!tpu.dma_semaphore, #tpu.memory_space<semaphore_mem>>)
      %mul3A_36 = arith.constant 80 : i32
      %mul3A_37 = arith.muli %mul3A_27, %mul3A_36 : i32
      %dma_wait3A_38 = tpu.memref_slice %arg7[%mul3A_37] : memref<10000xi32, #tpu.memory_space<vmem>> -> memref<80xi32, #tpu.memory_space<vmem>>
      %dma_wait3A_39 = arith.constant 0 : i32
      %dma_wait3A_40 = arith.constant 0 : i32
      %dma_wait3A_41 = tpu.memref_slice %arg2[%dma_wait3A_39, %dma_wait3A_40] : memref<10000x128xf32, #tpu.memory_space<hbm>> -> memref<10000x128xf32, #tpu.memory_space<hbm>>
      tpu.wait_indirect_dma semaphore(%arg12 : memref<!tpu.dma_semaphore, #tpu.memory_space<semaphore_mem>>) src(%dma_wait3A_41 : memref<10000x128xf32, #tpu.memory_space<hbm>>) dst(%arg9 : memref<80x128xf32, #tpu.memory_space<vmem>>)
      "tpu.region"() ({
        %run_scoped3A_60 = tpu.sem_alloc : memref<!tpu.dma_semaphore, #tpu.memory_space<semaphore_mem>>
        %dma_start3A_61 = arith.constant 0 : i32
        %dma_start3A_62 = tpu.memref_slice %arg8[%mul3A_27, %dma_start3A_61] : memref<128x80xi32, #tpu.memory_space<vmem>> -> memref<1x80xi32, #tpu.memory_space<vmem>>
        %dma_start3A_63 = tpu.memref_squeeze %dma_start3A_62 : memref<1x80xi32, #tpu.memory_space<vmem>> -> memref<80xi32, #tpu.memory_space<vmem>>
        %dma_start3A_64 = arith.constant 0 : i32
        %dma_start3A_65 = arith.constant 0 : i32
        %dma_start3A_66 = tpu.memref_slice %arg11[%dma_start3A_64, %dma_start3A_65] : memref<10240x128xf32, #tpu.memory_space<vmem_shared>> -> memref<10240x128xf32, #tpu.memory_space<vmem_shared>>
        tpu.enqueue_indirect_dma source(%arg9 : memref<80x128xf32, #tpu.memory_space<vmem>>) target(%dma_start3A_66 : memref<10240x128xf32, #tpu.memory_space<vmem_shared>>) offsets(%dma_start3A_63 : memref<80xi32, #tpu.memory_space<vmem>>) semaphore(%run_scoped3A_60 : memref<!tpu.dma_semaphore, #tpu.memory_space<semaphore_mem>>) {add = true}
        %dma_wait3A_67 = arith.constant 0 : i32
        %dma_wait3A_68 = tpu.memref_slice %arg8[%mul3A_27, %dma_wait3A_67] : memref<128x80xi32, #tpu.memory_space<vmem>> -> memref<1x80xi32, #tpu.memory_space<vmem>>
        %dma_wait3A_69 = tpu.memref_squeeze %dma_wait3A_68 : memref<1x80xi32, #tpu.memory_space<vmem>> -> memref<80xi32, #tpu.memory_space<vmem>>
        %dma_wait3A_70 = arith.constant 0 : i32
        %dma_wait3A_71 = arith.constant 0 : i32
        %dma_wait3A_72 = tpu.memref_slice %arg11[%dma_wait3A_70, %dma_wait3A_71] : memref<10240x128xf32, #tpu.memory_space<vmem_shared>> -> memref<10240x128xf32, #tpu.memory_space<vmem_shared>>
        tpu.wait_indirect_dma semaphore(%run_scoped3A_60 : memref<!tpu.dma_semaphore, #tpu.memory_space<semaphore_mem>>) src(%arg9 : memref<80x128xf32, #tpu.memory_space<vmem>>) dst(%dma_wait3A_72 : memref<10240x128xf32, #tpu.memory_space<vmem_shared>>)
        tpu.yield
      }) : () -> ()
      %add3A_42 = arith.constant 2 : i32
      %add3A_43 = arith.addi %mul3A_27, %add3A_42 : i32
      %mul3A_44 = arith.constant 80 : i32
      %mul3A_45 = arith.muli %add3A_43, %mul3A_44 : i32
      %dma_start3A_46 = tpu.memref_slice %arg7[%mul3A_45] : memref<10000xi32, #tpu.memory_space<vmem>> -> memref<80xi32, #tpu.memory_space<vmem>>
      %dma_start3A_47 = arith.constant 0 : i32
      %dma_start3A_48 = arith.constant 0 : i32
      %dma_start3A_49 = tpu.memref_slice %arg2[%dma_start3A_47, %dma_start3A_48] : memref<10000x128xf32, #tpu.memory_space<hbm>> -> memref<10000x128xf32, #tpu.memory_space<hbm>>
      tpu.enqueue_indirect_dma source(%dma_start3A_49 : memref<10000x128xf32, #tpu.memory_space<hbm>>) target(%arg9 : memref<80x128xf32, #tpu.memory_space<vmem>>) offsets(%dma_start3A_46 : memref<80xi32, #tpu.memory_space<vmem>>) semaphore(%arg12 : memref<!tpu.dma_semaphore, #tpu.memory_space<semaphore_mem>>)
      %add3A_50 = arith.constant 1 : i32
      %add3A_51 = arith.addi %mul3A_27, %add3A_50 : i32
      %mul3A_52 = arith.constant 80 : i32
      %mul3A_53 = arith.muli %add3A_51, %mul3A_52 : i32
      %dma_wait3A_54 = tpu.memref_slice %arg7[%mul3A_53] : memref<10000xi32, #tpu.memory_space<vmem>> -> memref<80xi32, #tpu.memory_space<vmem>>
      %dma_wait3A_55 = arith.constant 0 : i32
      %dma_wait3A_56 = arith.constant 0 : i32
      %dma_wait3A_57 = tpu.memref_slice %arg2[%dma_wait3A_55, %dma_wait3A_56] : memref<10000x128xf32, #tpu.memory_space<hbm>> -> memref<10000x128xf32, #tpu.memory_space<hbm>>
      tpu.wait_indirect_dma semaphore(%arg13 : memref<!tpu.dma_semaphore, #tpu.memory_space<semaphore_mem>>) src(%dma_wait3A_57 : memref<10000x128xf32, #tpu.memory_space<hbm>>) dst(%arg10 : memref<80x128xf32, #tpu.memory_space<vmem>>)
      %add3A_58 = arith.constant 1 : i32
      %add3A_59 = arith.addi %mul3A_27, %add3A_58 : i32
      "tpu.region"() ({
        %run_scoped3A_60 = tpu.sem_alloc : memref<!tpu.dma_semaphore, #tpu.memory_space<semaphore_mem>>
        %dma_start3A_61 = arith.constant 0 : i32
        %dma_start3A_62 = tpu.memref_slice %arg8[%add3A_59, %dma_start3A_61] : memref<128x80xi32, #tpu.memory_space<vmem>> -> memref<1x80xi32, #tpu.memory_space<vmem>>
        %dma_start3A_63 = tpu.memref_squeeze %dma_start3A_62 : memref<1x80xi32, #tpu.memory_space<vmem>> -> memref<80xi32, #tpu.memory_space<vmem>>
        %dma_start3A_64 = arith.constant 0 : i32
        %dma_start3A_65 = arith.constant 0 : i32
        %dma_start3A_66 = tpu.memref_slice %arg11[%dma_start3A_64, %dma_start3A_65] : memref<10240x128xf32, #tpu.memory_space<vmem_shared>> -> memref<10240x128xf32, #tpu.memory_space<vmem_shared>>
        tpu.enqueue_indirect_dma source(%arg10 : memref<80x128xf32, #tpu.memory_space<vmem>>) target(%dma_start3A_66 : memref<10240x128xf32, #tpu.memory_space<vmem_shared>>) offsets(%dma_start3A_63 : memref<80xi32, #tpu.memory_space<vmem>>) semaphore(%run_scoped3A_60 : memref<!tpu.dma_semaphore, #tpu.memory_space<semaphore_mem>>) {add = true}
        %dma_wait3A_67 = arith.constant 0 : i32
        %dma_wait3A_68 = tpu.memref_slice %arg8[%add3A_59, %dma_wait3A_67] : memref<128x80xi32, #tpu.memory_space<vmem>> -> memref<1x80xi32, #tpu.memory_space<vmem>>
        %dma_wait3A_69 = tpu.memref_squeeze %dma_wait3A_68 : memref<1x80xi32, #tpu.memory_space<vmem>> -> memref<80xi32, #tpu.memory_space<vmem>>
        %dma_wait3A_70 = arith.constant 0 : i32
        %dma_wait3A_71 = arith.constant 0 : i32
        %dma_wait3A_72 = tpu.memref_slice %arg11[%dma_wait3A_70, %dma_wait3A_71] : memref<10240x128xf32, #tpu.memory_space<vmem_shared>> -> memref<10240x128xf32, #tpu.memory_space<vmem_shared>>
        tpu.wait_indirect_dma semaphore(%run_scoped3A_60 : memref<!tpu.dma_semaphore, #tpu.memory_space<semaphore_mem>>) src(%arg10 : memref<80x128xf32, #tpu.memory_space<vmem>>) dst(%dma_wait3A_72 : memref<10240x128xf32, #tpu.memory_space<vmem_shared>>)
        tpu.yield
      }) : () -> ()
    }
    %scan3A_18 = arith.constant 62 : i32
    %dma_wait3A_19 = arith.constant 9920 : i32
    %dma_wait3A_20 = tpu.memref_slice %arg7[%dma_wait3A_19] : memref<10000xi32, #tpu.memory_space<vmem>> -> memref<80xi32, #tpu.memory_space<vmem>>
    %dma_wait3A_21 = arith.constant 0 : i32
    %dma_wait3A_22 = arith.constant 0 : i32
    %dma_wait3A_23 = tpu.memref_slice %arg2[%dma_wait3A_21, %dma_wait3A_22] : memref<10000x128xf32, #tpu.memory_space<hbm>> -> memref<10000x128xf32, #tpu.memory_space<hbm>>
    tpu.wait_indirect_dma semaphore(%arg12 : memref<!tpu.dma_semaphore, #tpu.memory_space<semaphore_mem>>) src(%dma_wait3A_23 : memref<10000x128xf32, #tpu.memory_space<hbm>>) dst(%arg9 : memref<80x128xf32, #tpu.memory_space<vmem>>)
    %run_scoped3A = arith.constant 124 : i32
    "tpu.region"() ({
      %run_scoped3A_25 = tpu.sem_alloc : memref<!tpu.dma_semaphore, #tpu.memory_space<semaphore_mem>>
      %dma_start3A_26 = arith.constant 0 : i32
      %dma_start3A_27 = tpu.memref_slice %arg8[%run_scoped3A, %dma_start3A_26] : memref<128x80xi32, #tpu.memory_space<vmem>> -> memref<1x80xi32, #tpu.memory_space<vmem>>
      %dma_start3A_28 = tpu.memref_squeeze %dma_start3A_27 : memref<1x80xi32, #tpu.memory_space<vmem>> -> memref<80xi32, #tpu.memory_space<vmem>>
      %dma_start3A_29 = arith.constant 0 : i32
      %dma_start3A_30 = arith.constant 0 : i32
      %dma_start3A_31 = tpu.memref_slice %arg11[%dma_start3A_29, %dma_start3A_30] : memref<10240x128xf32, #tpu.memory_space<vmem_shared>> -> memref<10240x128xf32, #tpu.memory_space<vmem_shared>>
      tpu.enqueue_indirect_dma source(%arg9 : memref<80x128xf32, #tpu.memory_space<vmem>>) target(%dma_start3A_31 : memref<10240x128xf32, #tpu.memory_space<vmem_shared>>) offsets(%dma_start3A_28 : memref<80xi32, #tpu.memory_space<vmem>>) semaphore(%run_scoped3A_25 : memref<!tpu.dma_semaphore, #tpu.memory_space<semaphore_mem>>) {add = true}
      %dma_wait3A_32 = arith.constant 0 : i32
      %dma_wait3A_33 = tpu.memref_slice %arg8[%run_scoped3A, %dma_wait3A_32] : memref<128x80xi32, #tpu.memory_space<vmem>> -> memref<1x80xi32, #tpu.memory_space<vmem>>
      %dma_wait3A_34 = tpu.memref_squeeze %dma_wait3A_33 : memref<1x80xi32, #tpu.memory_space<vmem>> -> memref<80xi32, #tpu.memory_space<vmem>>
      %dma_wait3A_35 = arith.constant 0 : i32
      %dma_wait3A_36 = arith.constant 0 : i32
      %dma_wait3A_37 = tpu.memref_slice %arg11[%dma_wait3A_35, %dma_wait3A_36] : memref<10240x128xf32, #tpu.memory_space<vmem_shared>> -> memref<10240x128xf32, #tpu.memory_space<vmem_shared>>
      tpu.wait_indirect_dma semaphore(%run_scoped3A_25 : memref<!tpu.dma_semaphore, #tpu.memory_space<semaphore_mem>>) src(%arg9 : memref<80x128xf32, #tpu.memory_space<vmem>>) dst(%dma_wait3A_37 : memref<10240x128xf32, #tpu.memory_space<vmem_shared>>)
      tpu.yield
    }) : () -> ()
    %barrier3A_24 = arith.constant 0 : index
    tpu.barrier barrier_id(%barrier3A_24)
    "tpu.region"() ({
      %run_scoped3A_25 = tpu.sem_alloc : memref<!tpu.dma_semaphore, #tpu.memory_space<semaphore_mem>>
      %dma_start3A_26 = arith.constant 0 : i32
      %dma_start3A_27 = tpu.memref_slice %arg6[%arg0, %mul3A_2, %dma_start3A_26] : memref<2x10240x128xf32, #tpu.memory_space<hbm>> -> memref<1x640x128xf32, #tpu.memory_space<hbm>>
      %dma_start3A_28 = tpu.memref_squeeze %dma_start3A_27 : memref<1x640x128xf32, #tpu.memory_space<hbm>> -> memref<640x128xf32, #tpu.memory_space<hbm>>
      %dma_start3A_29 = arith.constant 0 : i32
      %dma_start3A_30 = tpu.memref_slice %arg11[%mul3A_2, %dma_start3A_29] : memref<10240x128xf32, #tpu.memory_space<vmem_shared>> -> memref<640x128xf32, #tpu.memory_space<vmem_shared>>
      tpu.enqueue_dma source(%dma_start3A_30 : memref<640x128xf32, #tpu.memory_space<vmem_shared>>) target(%dma_start3A_28 : memref<640x128xf32, #tpu.memory_space<hbm>>) target_semaphore(%run_scoped3A_25 : memref<!tpu.dma_semaphore, #tpu.memory_space<semaphore_mem>>)
      %dma_wait3A_31 = arith.constant 0 : i32
      %dma_wait3A_32 = tpu.memref_slice %arg6[%arg0, %mul3A_2, %dma_wait3A_31] : memref<2x10240x128xf32, #tpu.memory_space<hbm>> -> memref<1x640x128xf32, #tpu.memory_space<hbm>>
      %dma_wait3A_33 = tpu.memref_squeeze %dma_wait3A_32 : memref<1x640x128xf32, #tpu.memory_space<hbm>> -> memref<640x128xf32, #tpu.memory_space<hbm>>
      %dma_wait3A_34 = arith.constant 0 : i32
      %dma_wait3A_35 = tpu.memref_slice %arg11[%mul3A_2, %dma_wait3A_34] : memref<10240x128xf32, #tpu.memory_space<vmem_shared>> -> memref<640x128xf32, #tpu.memory_space<vmem_shared>>
      tpu.wait_dma2 semaphore(%run_scoped3A_25 : memref<!tpu.dma_semaphore, #tpu.memory_space<semaphore_mem>>) src(%dma_wait3A_35 : memref<640x128xf32, #tpu.memory_space<vmem_shared>>) dst(%dma_wait3A_33 : memref<640x128xf32, #tpu.memory_space<hbm>>)
      tpu.yield
    }) : () -> ()
    return
  }
}

module attributes {stable_mosaic.version = 14 : i64} {
  func.func @body(%arg0: memref<10000x128xf32, #tpu.memory_space<vmem>>, %arg1: memref<128x64xf32, #tpu.memory_space<vmem>>, %arg2: memref<2x10240x128xf32, #tpu.memory_space<vmem>>, %arg3: memref<10000x128xf32, #tpu.memory_space<vmem>>, %arg4: memref<10000x1xf32, #tpu.memory_space<vmem>>) attributes {dimension_semantics = [], scalar_prefetch = 0 : i64, scratch_operands = 0 : i64, tpu.core_type = #tpu.core_type<tc>} {
    %get3A = arith.constant 0 : index
    %get3A_0 = arith.constant 0 : index
    %get3A_1 = arith.constant 0 : index
    %get3A_2 = vector.load %arg2[%get3A, %get3A_0, %get3A_1] : memref<2x10240x128xf32, #tpu.memory_space<vmem>>, vector<2x10240x128xf32>
    %slice3A = vector.extract_strided_slice %get3A_2 {offsets = [0, 0, 0], sizes = [1, 10000, 1], strides = [1, 1, 1]} : vector<2x10240x128xf32> to vector<1x10000x1xf32>
    %squeeze3A = vector.shape_cast %slice3A : vector<1x10000x1xf32> to vector<10000x1xf32>
    %slice3A_3 = vector.extract_strided_slice %get3A_2 {offsets = [1, 0, 0], sizes = [1, 10000, 1], strides = [1, 1, 1]} : vector<2x10240x128xf32> to vector<1x10000x1xf32>
    %squeeze3A_4 = vector.shape_cast %slice3A_3 : vector<1x10000x1xf32> to vector<10000x1xf32>
    %add3A = arith.addf %squeeze3A, %squeeze3A_4 : vector<10000x1xf32>
    %max3A = arith.constant 1.000000e+00 : f32
    %max3A_5 = vector.broadcast %max3A : f32 to vector<10000x1xf32>
    %max3A_6 = arith.maximumf %add3A, %max3A_5 : vector<10000x1xf32>
    %rsqrt3A = math.rsqrt %max3A_6 : vector<10000x1xf32>
    %swap3A = arith.constant 0 : index
    %swap3A_7 = arith.constant 0 : index
    %swap3A_8 = vector.load %arg4[%swap3A, %swap3A_7] : memref<10000x1xf32, #tpu.memory_space<vmem>>, vector<10000x1xf32>
    tpu.vector_store %arg4[%swap3A, %swap3A_7], %rsqrt3A {strides = array<i32>} : memref<10000x1xf32, #tpu.memory_space<vmem>>, vector<10000x1xf32>,
    %get3A_9 = arith.constant 0 : index
    %get3A_10 = arith.constant 0 : index
    %get3A_11 = vector.load %arg0[%get3A_9, %get3A_10] : memref<10000x128xf32, #tpu.memory_space<vmem>>, vector<10000x128xf32>
    %get3A_12 = arith.constant 0 : index
    %get3A_13 = arith.constant 0 : index
    %get3A_14 = vector.load %arg1[%get3A_12, %get3A_13] : memref<128x64xf32, #tpu.memory_space<vmem>>, vector<128x64xf32>
    %dot_general3A = arith.constant dense<0.000000e+00> : vector<10000x64xf32>
    %dot_general3A_15 = tpu.matmul %get3A_11, %get3A_14, %dot_general3A {dimension_numbers = #tpu.dot_dimension_numbers<[1], [0], [0], [1], [0, 0, 1, 1], [], []>, transpose_lhs_hint = false} : vector<10000x128xf32>, vector<128x64xf32>, vector<10000x64xf32> -> vector<10000x64xf32>
    %mul3A = vector.broadcast %rsqrt3A : vector<10000x1xf32> to vector<10000x64xf32>
    %mul3A_16 = arith.mulf %dot_general3A_15, %mul3A : vector<10000x64xf32>
    %swap3A_17 = arith.constant 0 : index
    %swap3A_18 = arith.constant 0 : index
    %swap3A_19 = vector.load %arg3[%swap3A_17, %swap3A_18] : memref<10000x128xf32, #tpu.memory_space<vmem>>, vector<10000x64xf32>
    tpu.vector_store %arg3[%swap3A_17, %swap3A_18], %mul3A_16 {strides = array<i32>} : memref<10000x128xf32, #tpu.memory_space<vmem>>, vector<10000x64xf32>,
    %broadcast_in_dim3A = arith.constant 0.000000e+00 : f32
    %broadcast_in_dim3A_20 = vector.broadcast %broadcast_in_dim3A : f32 to vector<10000x64xf32>
    %swap3A_21 = arith.constant 0 : index
    %swap3A_22 = arith.constant 64 : index
    %swap3A_23 = vector.load %arg3[%swap3A_21, %swap3A_22] : memref<10000x128xf32, #tpu.memory_space<vmem>>, vector<10000x64xf32>
    tpu.vector_store %arg3[%swap3A_21, %swap3A_22], %broadcast_in_dim3A_20 {strides = array<i32>} : memref<10000x128xf32, #tpu.memory_space<vmem>>, vector<10000x64xf32>,
    return
  }
}

module attributes {stable_mosaic.version = 14 : i64} {
  func.func @body(%arg0: memref<2x10240x128xf32, #tpu.memory_space<vmem>>, %arg1: memref<10000x1xf32, #tpu.memory_space<vmem>>, %arg2: memref<1x64xf32, #tpu.memory_space<vmem>>, %arg3: memref<64x64xf32, #tpu.memory_space<vmem>>, %arg4: memref<10000x128xf32, #tpu.memory_space<vmem>>) attributes {dimension_semantics = [], scalar_prefetch = 0 : i64, scratch_operands = 0 : i64, tpu.core_type = #tpu.core_type<tc>} {
    %get3A = arith.constant 0 : index
    %get3A_0 = arith.constant 0 : index
    %get3A_1 = arith.constant 0 : index
    %get3A_2 = vector.load %arg0[%get3A, %get3A_0, %get3A_1] : memref<2x10240x128xf32, #tpu.memory_space<vmem>>, vector<2x10240x128xf32>
    %get3A_3 = arith.constant 0 : index
    %get3A_4 = arith.constant 0 : index
    %get3A_5 = vector.load %arg1[%get3A_3, %get3A_4] : memref<10000x1xf32, #tpu.memory_space<vmem>>, vector<10000x1xf32>
    %slice3A = vector.extract_strided_slice %get3A_2 {offsets = [0, 0, 0], sizes = [1, 10000, 64], strides = [1, 1, 1]} : vector<2x10240x128xf32> to vector<1x10000x64xf32>
    %squeeze3A = vector.shape_cast %slice3A : vector<1x10000x64xf32> to vector<10000x64xf32>
    %slice3A_6 = vector.extract_strided_slice %get3A_2 {offsets = [1, 0, 0], sizes = [1, 10000, 64], strides = [1, 1, 1]} : vector<2x10240x128xf32> to vector<1x10000x64xf32>
    %squeeze3A_7 = vector.shape_cast %slice3A_6 : vector<1x10000x64xf32> to vector<10000x64xf32>
    %add3A = arith.addf %squeeze3A, %squeeze3A_7 : vector<10000x64xf32>
    %mul3A = vector.broadcast %get3A_5 : vector<10000x1xf32> to vector<10000x64xf32>
    %mul3A_8 = arith.mulf %mul3A, %add3A : vector<10000x64xf32>
    %get3A_9 = arith.constant 0 : index
    %get3A_10 = arith.constant 0 : index
    %get3A_11 = vector.load %arg2[%get3A_9, %get3A_10] : memref<1x64xf32, #tpu.memory_space<vmem>>, vector<1x64xf32>
    %add3A_12 = vector.broadcast %get3A_11 : vector<1x64xf32> to vector<10000x64xf32>
    %add3A_13 = arith.addf %mul3A_8, %add3A_12 : vector<10000x64xf32>
    %max3A = arith.constant 0.000000e+00 : f32
    %max3A_14 = vector.broadcast %max3A : f32 to vector<10000x64xf32>
    %max3A_15 = arith.maximumf %add3A_13, %max3A_14 : vector<10000x64xf32>
    %get3A_16 = arith.constant 0 : index
    %get3A_17 = arith.constant 0 : index
    %get3A_18 = vector.load %arg3[%get3A_16, %get3A_17] : memref<64x64xf32, #tpu.memory_space<vmem>>, vector<64x64xf32>
    %dot_general3A = arith.constant dense<0.000000e+00> : vector<10000x64xf32>
    %dot_general3A_19 = tpu.matmul %max3A_15, %get3A_18, %dot_general3A {dimension_numbers = #tpu.dot_dimension_numbers<[1], [0], [0], [1], [0, 0, 1, 1], [], []>, transpose_lhs_hint = false} : vector<10000x64xf32>, vector<64x64xf32>, vector<10000x64xf32> -> vector<10000x64xf32>
    %mul3A_20 = vector.broadcast %get3A_5 : vector<10000x1xf32> to vector<10000x64xf32>
    %mul3A_21 = arith.mulf %dot_general3A_19, %mul3A_20 : vector<10000x64xf32>
    %swap3A = arith.constant 0 : index
    %swap3A_22 = arith.constant 0 : index
    %swap3A_23 = vector.load %arg4[%swap3A, %swap3A_22] : memref<10000x128xf32, #tpu.memory_space<vmem>>, vector<10000x64xf32>
    tpu.vector_store %arg4[%swap3A, %swap3A_22], %mul3A_21 {strides = array<i32>} : memref<10000x128xf32, #tpu.memory_space<vmem>>, vector<10000x64xf32>,
    %broadcast_in_dim3A = arith.constant 0.000000e+00 : f32
    %broadcast_in_dim3A_24 = vector.broadcast %broadcast_in_dim3A : f32 to vector<10000x64xf32>
    %swap3A_25 = arith.constant 0 : index
    %swap3A_26 = arith.constant 64 : index
    %swap3A_27 = vector.load %arg4[%swap3A_25, %swap3A_26] : memref<10000x128xf32, #tpu.memory_space<vmem>>, vector<10000x64xf32>
    tpu.vector_store %arg4[%swap3A_25, %swap3A_26], %broadcast_in_dim3A_24 {strides = array<i32>} : memref<10000x128xf32, #tpu.memory_space<vmem>>, vector<10000x64xf32>,
    return
  }
}

module attributes {stable_mosaic.version = 14 : i64} {
  func.func @body(%arg0: memref<2x10240x128xf32, #tpu.memory_space<vmem>>, %arg1: memref<10000x1xf32, #tpu.memory_space<vmem>>, %arg2: memref<1x64xf32, #tpu.memory_space<vmem>>, %arg3: memref<1x10000xi32, #tpu.memory_space<vmem>>, %arg4: memref<64x64xf32, #tpu.memory_space<vmem>>, %arg5: memref<1x64xf32, #tpu.memory_space<vmem>>, %arg6: memref<64x1xf32, #tpu.memory_space<vmem>>, %arg7: memref<1x1xf32, #tpu.memory_space<vmem>>, %arg8: memref<64x1xf32, #tpu.memory_space<vmem>>) attributes {dimension_semantics = [], scalar_prefetch = 0 : i64, scratch_operands = 0 : i64, tpu.core_type = #tpu.core_type<tc>} {
    %get3A = arith.constant 0 : index
    %get3A_0 = arith.constant 0 : index
    %get3A_1 = arith.constant 0 : index
    %get3A_2 = vector.load %arg0[%get3A, %get3A_0, %get3A_1] : memref<2x10240x128xf32, #tpu.memory_space<vmem>>, vector<2x10240x128xf32>
    %get3A_3 = arith.constant 0 : index
    %get3A_4 = arith.constant 0 : index
    %get3A_5 = vector.load %arg1[%get3A_3, %get3A_4] : memref<10000x1xf32, #tpu.memory_space<vmem>>, vector<10000x1xf32>
    %slice3A = vector.extract_strided_slice %get3A_2 {offsets = [0, 0, 0], sizes = [1, 10000, 64], strides = [1, 1, 1]} : vector<2x10240x128xf32> to vector<1x10000x64xf32>
    %squeeze3A = vector.shape_cast %slice3A : vector<1x10000x64xf32> to vector<10000x64xf32>
    %slice3A_6 = vector.extract_strided_slice %get3A_2 {offsets = [1, 0, 0], sizes = [1, 10000, 64], strides = [1, 1, 1]} : vector<2x10240x128xf32> to vector<1x10000x64xf32>
    %squeeze3A_7 = vector.shape_cast %slice3A_6 : vector<1x10000x64xf32> to vector<10000x64xf32>
    %add3A = arith.addf %squeeze3A, %squeeze3A_7 : vector<10000x64xf32>
    %mul3A = vector.broadcast %get3A_5 : vector<10000x1xf32> to vector<10000x64xf32>
    %mul3A_8 = arith.mulf %mul3A, %add3A : vector<10000x64xf32>
    %get3A_9 = arith.constant 0 : index
    %get3A_10 = arith.constant 0 : index
    %get3A_11 = vector.load %arg2[%get3A_9, %get3A_10] : memref<1x64xf32, #tpu.memory_space<vmem>>, vector<1x64xf32>
    %add3A_12 = vector.broadcast %get3A_11 : vector<1x64xf32> to vector<10000x64xf32>
    %add3A_13 = arith.addf %mul3A_8, %add3A_12 : vector<10000x64xf32>
    %max3A = arith.constant 0.000000e+00 : f32
    %max3A_14 = vector.broadcast %max3A : f32 to vector<10000x64xf32>
    %max3A_15 = arith.maximumf %add3A_13, %max3A_14 : vector<10000x64xf32>
    %iota3A = tpu.iota {dimensions = array<i32: 0>} : vector<64x10000xi32>
    %get3A_16 = arith.constant 0 : index
    %get3A_17 = arith.constant 0 : index
    %get3A_18 = vector.load %arg3[%get3A_16, %get3A_17] : memref<1x10000xi32, #tpu.memory_space<vmem>>, vector<1x10000xi32>
    %eq3A = vector.broadcast %get3A_18 : vector<1x10000xi32> to vector<64x10000xi32>
    %eq3A_19 = arith.cmpi eq, %iota3A, %eq3A : vector<64x10000xi32>
    %jit3A = arith.constant 1.000000e+00 : f32
    %jit3A_20 = arith.constant 0.000000e+00 : f32
    %broadcast_in_dim3A = vector.broadcast %jit3A : f32 to vector<64x10000xf32>
    %broadcast_in_dim3A_21 = vector.broadcast %jit3A_20 : f32 to vector<64x10000xf32>
    %select_n3A = arith.select %eq3A_19, %broadcast_in_dim3A, %broadcast_in_dim3A_21 : vector<64x10000xi1>, vector<64x10000xf32>
    %convert_element_type3A = arith.truncf %max3A_15 : vector<10000x64xf32> to vector<10000x64xbf16>
    %convert_element_type3A_22 = arith.extf %convert_element_type3A : vector<10000x64xbf16> to vector<10000x64xf32>
    %sub3A = arith.subf %max3A_15, %convert_element_type3A_22 : vector<10000x64xf32>
    %dot_general3A = arith.constant dense<0.000000e+00> : vector<64x64xf32>
    %dot_general3A_23 = tpu.matmul %select_n3A, %convert_element_type3A_22, %dot_general3A {dimension_numbers = #tpu.dot_dimension_numbers<[1], [0], [0], [1], [0, 0, 1, 1], [], []>, transpose_lhs_hint = false} : vector<64x10000xf32>, vector<10000x64xf32>, vector<64x64xf32> -> vector<64x64xf32>
    %dot_general3A_24 = arith.constant dense<0.000000e+00> : vector<64x64xf32>
    %dot_general3A_25 = tpu.matmul %select_n3A, %sub3A, %dot_general3A_24 {dimension_numbers = #tpu.dot_dimension_numbers<[1], [0], [0], [1], [0, 0, 1, 1], [], []>, transpose_lhs_hint = false} : vector<64x10000xf32>, vector<10000x64xf32>, vector<64x64xf32> -> vector<64x64xf32>
    %add3A_26 = arith.addf %dot_general3A_23, %dot_general3A_25 : vector<64x64xf32>
    %get3A_27 = arith.constant 0 : index
    %get3A_28 = arith.constant 0 : index
    %get3A_29 = vector.load %arg4[%get3A_27, %get3A_28] : memref<64x64xf32, #tpu.memory_space<vmem>>, vector<64x64xf32>
    %dot_general3A_30 = arith.constant dense<0.000000e+00> : vector<64x64xf32>
    %dot_general3A_31 = tpu.matmul %add3A_26, %get3A_29, %dot_general3A_30 {dimension_numbers = #tpu.dot_dimension_numbers<[1], [0], [0], [1], [0, 0, 1, 1], [], []>, transpose_lhs_hint = false} : vector<64x64xf32>, vector<64x64xf32>, vector<64x64xf32> -> vector<64x64xf32>
    %get3A_32 = arith.constant 0 : index
    %get3A_33 = arith.constant 0 : index
    %get3A_34 = vector.load %arg5[%get3A_32, %get3A_33] : memref<1x64xf32, #tpu.memory_space<vmem>>, vector<1x64xf32>
    %add3A_35 = vector.broadcast %get3A_34 : vector<1x64xf32> to vector<64x64xf32>
    %add3A_36 = arith.addf %dot_general3A_31, %add3A_35 : vector<64x64xf32>
    %max3A_37 = arith.constant 0.000000e+00 : f32
    %max3A_38 = vector.broadcast %max3A_37 : f32 to vector<64x64xf32>
    %max3A_39 = arith.maximumf %add3A_36, %max3A_38 : vector<64x64xf32>
    %get3A_40 = arith.constant 0 : index
    %get3A_41 = arith.constant 0 : index
    %get3A_42 = vector.load %arg6[%get3A_40, %get3A_41] : memref<64x1xf32, #tpu.memory_space<vmem>>, vector<64x1xf32>
    %dot_general3A_43 = arith.constant dense<0.000000e+00> : vector<64x1xf32>
    %dot_general3A_44 = tpu.matmul %max3A_39, %get3A_42, %dot_general3A_43 {dimension_numbers = #tpu.dot_dimension_numbers<[1], [0], [0], [1], [0, 0, 1, 1], [], []>, transpose_lhs_hint = false} : vector<64x64xf32>, vector<64x1xf32>, vector<64x1xf32> -> vector<64x1xf32>
    %get3A_45 = arith.constant 0 : index
    %get3A_46 = arith.constant 0 : index
    %get3A_47 = vector.load %arg7[%get3A_45, %get3A_46] : memref<1x1xf32, #tpu.memory_space<vmem>>, vector<1x1xf32>
    %add3A_48 = vector.broadcast %get3A_47 : vector<1x1xf32> to vector<64x1xf32>
    %add3A_49 = arith.addf %dot_general3A_44, %add3A_48 : vector<64x1xf32>
    %swap3A = arith.constant 0 : index
    %swap3A_50 = arith.constant 0 : index
    %swap3A_51 = vector.load %arg8[%swap3A, %swap3A_50] : memref<64x1xf32, #tpu.memory_space<vmem>>, vector<64x1xf32>
    tpu.vector_store %arg8[%swap3A, %swap3A_50], %add3A_49 {strides = array<i32>} : memref<64x1xf32, #tpu.memory_space<vmem>>, vector<64x1xf32>,
    return
  }
}

</mosaic_0001>

<sc_bundles>
// kernel: kernel.11.cloned.1.call-start
scs
__scs_entry_jumppad:
0x0: {  	(pc) =	sbr.rel $0x88, $3  }
0x1: {  	(tag) =	ssettag $0x0;
	lr =	simm.s32 $0x1  }
0x2: {  	[smem:$0x3F96] =	sst lr;
	_ =	strace $0xD0000000  }
0x3: {  	_ = 	snop  }
0x4: {  	_ = 	snop  }
0x5: {  	_ = 	snop  }
0x6: {  	_ = 	snop  }
0x7: {  	_ = 	snop  }
__scs_overlays_trampoline_lowered:
0x8: {  	[smem:$0x3FA5] =	sst s0  }
0x9: {  	[smem:$0x3FA6] =	sst s1  }
0xa: {  	[smem:$0x3FA7] =	sst s2  }
0xb: {  	[smem:$0x3FA8] =	sst s3  }
0xc: {  	[smem:$0x3FA9] =	sst s4  }
0xd: {  	[smem:$0x3FAA] =	sst s5  }
0xe: {  	[smem:$0x3FAB] =	sst s6  }
0xf: {  	[smem:$0x3FAC] =	sst s7  }
0x10: {  	[smem:$0x3FAD] =	sst s8  }
0x11: {  	[smem:$0x3FAE] =	sst s9;
	s0 =	simm.s32 @!p0 $0x0  }
0x12: {  	s1 =	sld [smem:$0x3F94];
	s0 =	simm.s32 @p0 $0x1  }
0x13: {  	[smem:$0x3FAF] =	sst s0;
	s0 =	simm.s32 @!p1 $0x0  }
0x14: {  	s2 =	sld [smem:$0x3F93];
	s0 =	simm.s32 @p1 $0x1  }
0x15: {  	[smem:$0x3FB0] =	sst s0;
	s0 =	simm.s32 @!p2 $0x0  }
0x16: {  	s3 =	sld [smem:$0x3FDB];
	s0 =	simm.s32 @p2 $0x1  }
0x17: {  	s4 =	simm.s32 $0x1BF5;
	[smem:$0x3FB2] =	sst s0  }
0x18: {  	s0 =	sld [smem:$0x3F95];
	_ =	swait.ge [sflag:s4], $0x0  }
0x19: {  	s7 =	sld [smem:$0x3F96]  }
0x1a: {  	s8 =	sadd.s32 $0xFFFFE003, lr  }
0x1b: {  	s9 =	sadd.s32 $0xFFFFFEF7, lr;
	s5 =	simm.s32 $0xFFFFFFFF;
	p2 =	slt.u32 s8, $0xFFFFF086  }
0x1c: {  	p1 =	slt.u32 s9, $0xF7A;
	s5 =	simm.s32 @!p2 $0x0  }
0x1d: {  	s5 =	simm.s32 @p1 $0x1;
	p0 =	seq.s32 s7, s2  }
0x1e: {  	s7 =	smul.u32 @!p0 $0xF7A, s2;
	p2 =	seq.s32 @!p0 s5, $0x0  }
0x1f: {  	s9 =	smul.u32 $0xF7A, s1;
	s8 =	simm.s32 @!p0 $0x1BF5;
	p2 =	por !p2, p0  }
0x20: {  	[sflag:s8] =	ssyncset.s32 @!p0 $0xFFFFF086;
	s6 =	sadd.s32 @!p0 s3, s7;
	s7 =	simm.s32 @!p0 $0x108  }
0x21: {  	s3 =	sadd.s32 s3, s9;
	s6 =	sadd.s32 @!p0 $0x88, s6;
	s7 =	simm.s32 @p2 $0x1082  }
0x22: {  	[simem:s7], [sflag:s8] =	dma.local @!p0 [hbm:s6], $0xF7A  }
0x23: {  	s9 =	sor.u32 $0xD0000000, s2;
	s6 =	simm.s32 $0x108;
	_ =	swait.ge @!p0 [sflag:s8], $0x0  }
0x24: {  	s3 =	sadd.s32 $0x88, s3;
	s6 =	simm.s32 @!p1 $0x1082;
	[sflag:s4] =	ssyncset.s32 $0xFFFFF086  }
0x25: {  	[simem:s6], [sflag:s4] =	dma.local [hbm:s3], $0xF7A  }
0x26: {  	[smem:$0x3F96] =	sst s1;
	(tag) =	ssettag s2;
	_ =	strace s9  }
0x27: {  	s1 =	sld [smem:$0x3FA6]  }
0x28: {  	s2 =	sld [smem:$0x3FA7]  }
0x29: {  	s4 =	sld [smem:$0x3FA9]  }
0x2a: {  	p0 =	seq.s32 s5, $0x0;
	s5 =	sld [smem:$0x3FAA]  }
0x2b: {  	s6 =	sld [smem:$0x3FAB]  }
0x2c: {  	s7 =	sld [smem:$0x3FAC]  }
0x2d: {  	s3 =	simm.s32 $0x108;
	s8 =	sld [smem:$0x3FAD]  }
0x2e: {  	s3 =	simm.s32 @!p0 $0x1082;
	s9 =	sld [smem:$0x3FAE]  }
0x2f: {  	lr =	sadd.s32 s0, s3;
	s0 =	sld [smem:$0x3FA5]  }
0x30: {  	s3 =	sld [smem:$0x3FA8]  }
0x31: {  	[smem:$0x3FB1] =	sst s10  }
0x32: {  	s10 =	sld [smem:$0x3FAF];
	_ =	sdelay $0x3  }
0x33: {  	p0 =	seq.s32 s10, $0x1;
	s10 =	sld [smem:$0x3FB1];
	_ =	sdelay $0x3  }
0x34: {  	[smem:$0x3FB1] =	sst s10  }
0x35: {  	s10 =	sld [smem:$0x3FB0];
	_ =	sdelay $0x3  }
0x36: {  	p1 =	seq.s32 s10, $0x1;
	s10 =	sld [smem:$0x3FB1];
	_ =	sdelay $0x3  }
0x37: {  	[smem:$0x3FB1] =	sst s10  }
0x38: {  	s10 =	sld [smem:$0x3FB2]  }
0x39: {  	_ = 	snop;
	(pc) =	sbr.ind lr, $3  }
0x3a: {  	_ = 	snop  }
0x3b: {  	_ = 	snop  }
0x3c: {  	p2 =	seq.s32 s10, $0x1;
	s10 =	sld [smem:$0x3FB1]  }
0x3d: {  	_ =	shalt  }
0x3e: {  	_ =	shalt  }
0x3f: {  	_ =	shalt  }
0x40: {  	_ =	shalt  }
0x41: {  	_ =	shalt  }
0x42: {  	_ =	shalt  }
0x43: {  	_ =	shalt  }
0x44: {  	_ =	shalt  }
0x45: {  	_ =	shalt  }
0x46: {  	_ =	shalt  }
0x47: {  	_ =	shalt  }
0x48: {  	_ =	shalt  }
0x49: {  	_ =	shalt  }
0x4a: {  	_ =	shalt  }
0x4b: {  	_ =	shalt  }
0x4c: {  	_ =	shalt  }
0x4d: {  	_ =	shalt  }
0x4e: {  	_ =	shalt  }
0x4f: {  	_ =	shalt  }
0x50: {  	_ =	shalt  }
0x51: {  	_ =	shalt  }
0x52: {  	_ =	shalt  }
0x53: {  	_ =	shalt  }
0x54: {  	_ =	shalt  }
0x55: {  	_ =	shalt  }
0x56: {  	_ =	shalt  }
0x57: {  	_ =	shalt  }
0x58: {  	_ =	shalt  }
0x59: {  	_ =	shalt  }
0x5a: {  	_ =	shalt  }
0x5b: {  	_ =	shalt  }
0x5c: {  	_ =	shalt  }
0x5d: {  	_ =	shalt  }
0x5e: {  	_ =	shalt  }
0x5f: {  	_ =	shalt  }
0x60: {  	_ =	shalt  }
0x61: {  	_ =	shalt  }
0x62: {  	_ =	shalt  }
0x63: {  	_ =	shalt  }
0x64: {  	_ =	shalt  }
0x65: {  	_ =	shalt  }
0x66: {  	_ =	shalt  }
0x67: {  	_ =	shalt  }
0x68: {  	_ =	shalt  }
0x69: {  	_ =	shalt  }
0x6a: {  	_ =	shalt  }
0x6b: {  	_ =	shalt  }
0x6c: {  	_ =	shalt  }
0x6d: {  	_ =	shalt  }
0x6e: {  	_ =	shalt  }
0x6f: {  	_ =	shalt  }
0x70: {  	_ =	shalt  }
0x71: {  	_ =	shalt  }
0x72: {  	_ =	shalt  }
0x73: {  	_ =	shalt  }
0x74: {  	_ =	shalt  }
0x75: {  	_ =	shalt  }
0x76: {  	_ =	shalt  }
0x77: {  	_ =	shalt  }
0x78: {  	_ =	shalt  }
0x79: {  	_ =	shalt  }
0x7a: {  	_ =	shalt  }
0x7b: {  	_ =	shalt  }
0x7c: {  	_ =	shalt  }
0x7d: {  	_ =	shalt  }
0x7e: {  	_ =	shalt  }
0x7f: {  	_ =	shalt  }
0x80: {  	_ =	shalt  }
0x81: {  	_ =	shalt  }
0x82: {  	_ =	shalt  }
0x83: {  	_ =	shalt  }
0x84: {  	_ =	shalt  }
0x85: {  	_ =	shalt  }
0x86: {  	_ =	shalt  }
0x87: {  	_ =	shalt  }
.Lfunc_end0:
.L_simem_size_0:
called_computation.1_lowered:
.L_overlay_start_0:
0x88: {  	s2 =	sld [smem:$0x3FD9]  }
0x89: {  	s3 =	sld [smem:$0x3FFE];
	_ =	sdelay $0x1  }
0x8a: {  	s1 =	srdreg.scid  }
0x8b: {  	s0 =	sand.u32 $0x1, s1  }
0x8c: {  	s16 =	sshll.u32 s0, $0xA;
	s2 =	sadd.s32 s3, s2  }
0x8d: {  	s2 =	sadd.s32 s2, s16  }
0x8e: {  	[smem:$0x3FBD] =	sst s2  }
0x8f: {  	_ = 	snop  }
0x90: {  	(tm) =	ssettm $0x1  }
0x91: {  	s17 =	sld [smem:$0x3FFB];
	_ =	sdelay $0x3  }
0x92: {  	_ =	strace s17  }
0x93: {  	s2 =	sld [smem:$0x3FFC];
	_ =	sdelay $0x3  }
0x94: {  	_ =	strace s2  }
0x95: {  	s2 =	sld [smem:$0x3FFD];
	_ =	sdelay $0x3  }
0x96: {  	_ =	strace s2  }
0x97: {  	_ =	strace $0x8FFFFFFF  }
0x98: {  	s18 =	sld [smem:$0x3FDB];
	_ =	sdelay $0x1  }
0x99: {  	s19 =	simm.s32 $_scs_section_size  }
0x9a: {  	s4 =	simm.s32 $_size__tile_overlayer_lowered;
	s5 =	simm.s32 $_tile_overlayer_lowered  }
0x9b: {  	s22 =	simm.s32 $0x1BFF;
	s21 =	sshll.u32 s5, $0x1;
	s2 =	sadd.s32 s19, s18  }
0x9c: {  	s6 =	simm.s32 $0x0;
	s20 =	sshll.u32 s4, $0x1;
	s4 =	sadd.s32 s21, s2  }
0x9d: {  	[timem:s6], [sflag:s22] =	dma.local [hbm:s4], s20  }
0x9e: {  	_ =	swait.ge [sflag:s22], s20  }
0x9f: {  	s3 =	ssub.s32 $0x0, s20;
	[sflag:s22] =	ssyncset.done $0x0  }
0xa0: {  	[sflag:s22] =	ssyncadd.s32 s3;
	_ =	sdelay $0x1  }
0xa1: {  	s23 =	simm.s32 $0x1B8B  }
0xa2: {  	_ =	swait.ge [sflag:s23], $0x1  }
0xa3: {  	[sflag:s23] =	ssyncset.done $0x0  }
0xa4: {  	s25 =	simm.s32 $0x1B8E;
	s24 =	sld [smem:$0x3FFE];
	[sflag:s23] =	ssyncadd.s32 $0xFFFFFFFF  }
0xa5: {  	s26 =	simm.s32 $execute0_lowered;
	[smem:$0x3FD2] =	sst s25  }
0xa6: {  	s4 =	sshll.u32 s26, $0x1;
	_ =	strace $0x80000049;
	[dreg:$0x1] =	wrdreg $0xFFFFFFFF  }
0xa7: {  	s28 =	simm.s32 $_size_execute0_lowered;
	s2 =	sadd.s32 s2, s4;
	[dreg:$0x0] =	wrdreg $0x0  }
0xa8: {  	s4 =	sshll.u32 s28, $0x1;
	[dreg:$0x2] =	wrdreg s2  }
0xa9: {  	[dreg:$0x3] =	wrdreg s4  }
0xaa: {  	[dreg:$0x4] =	wrdreg $0xC0  }
0xab: {  	_ =	task [dreg:s6], $0x5FFFF  }
0xac: {  	[dreg:$0x1] =	wrdreg $0xFFFFFFFF  }
0xad: {  	[dreg:$0x0] =	wrdreg $0x60  }
0xae: {  	[dreg:$0x2] =	wrdreg s24  }
0xaf: {  	[dreg:$0x3] =	wrdreg $0xB7800  }
0xb0: {  	[dreg:$0x4] =	wrdreg $0x9  }
0xb1: {  	_ =	task.clear_ibuf [dreg:s6], $0x5FFFF;
	_ =	strace $0x90000049  }
0xb2: {  	s29 =	simm.s32 $0x9;
	_ =	strace $0x8000004B  }
0xb3: {  	_ =	swait.ge [sflag:s29], $0x1  }
0xb4: {  	[sflag:s29] =	ssyncadd.s32 $0xFFFFFFFF  }
0xb5: {  	_ =	strace $0x9000004B  }
0xb6: {  	_ =	sfence  }
0xb7: {  	s30 =	sld [smem:$0x0];
	_ =	sdelay $0x2  }
0xb8: {  	s31 =	sshll.u32 s1, $0xD;
	s1 =	sshrl.u32 s1, $0x2  }
0xb9: {  	s3 =	sand.u32 $0x4000, s31;
	s1 =	sadd.s32 s1, s30  }
0xba: {  	s0 =	sor.u32 s3, s0;
	s1 =	sshll.u32 s1, $0x11  }
0xbb: {  	s0 =	sor.u32 s1, s0  }
0xbc: {  	s0 =	sadd.s32 $0x8F2B, s0  }
0xbd: {  	[sflag:s0] =	ssyncadd.remote.s32 $0x1  }
0xbe: {  	_ =	sfence.sel $0xFFFF  }
0xbf: {  	[dreg:$0x0] =	wrdreg $0xFFFFFFFF;
	(pc) =	sbr.abs _section_cstart, $3  }
0xc0: {  	[dreg:$0x1] =	wrdreg $0xFFFFFFFF  }
0xc1: {  	_ =	task.clear_ibuf [dreg:s6], $0x2FFFF;
	_ =	strace $0x9FFFFFFF  }
0xc2: {  	(tm) =	ssettm $0x7FFFFFFF  }
0xc3: {  	_ =	shalt  }
tec
execute0_lowered:
.L_overlay_start_1:
0x0: {  	(tag) =	ssettag $0x1  }
0x1: {  	s6 =	rddreg [dreg:$0x0]  }
0x2: {  	s0 =	srdreg.scid;
	s2 =	rddreg [dreg:$0x1]  }
0x3: {  	s3 =	simm.s32 $0x0;
	s14 =	simm.s32 $0x3;
	s15 =	simm.s32 $0x2780  }
0x4: {  	s16 =	simm.s32 $0x50;
	s17 =	simm.s32 $0x6780;
	s18 =	simm.s32 $0x2  }
0x5: {  	s19 =	simm.s32 $0x8F80;
	s20 =	simm.s32 $0x1;
	s21 =	simm.s32 $0x6580  }
0x6: {  	s23 =	simm.s32 $0x0;
	s5 =	sand.u32 $0x1, s0;
	s0 =	stileid.u32  }
0x7: {  	[smem:$0x7FF] =	sst s3;
	s1 =	sshll.u32 s5, $0x4;
	s28 =	smul.u32 $0x14000, s0  }
0x8: {  	s26 =	sshll.u32 s0, $0x7;
	s10 =	smul.u32 $0x140000, s5;
	s5 =	ssub.s32 $0x2, s5  }
0x9: {  	s30 =	smul.u32 $0x50000, s0;
	s22 =	sshll.u32 s0, $0x6;
	s7 =	sor.u32 s0, s1  }
0xa: {  	s1 =	rddreg [dreg:$0x2];
	_ =	strace $0x8000004A;
	s9 =	sand.u32 $0x380, s26  }
0xb: {  	s12 =	sshrl.u32 s5, $0x1;
	s4 =	sshrl.u32 s7, $0x3;
	s7 =	sshll.u32 s7, $0xB  }
0xc: {  	s29 =	sshrl.u32 s28, $0x3;
	s12 =	ssub.s32 s5, s12;
	s31 =	sshrl.u32 s30, $0x2  }
0xd: {  	s8 =	smul.u32 $0x13C00, s4;
	s11 =	sadd.s32 s7, s6;
	s7 =	sadd.s32 s29, s6  }
0xe: {  	s4 =	sadd.s32 $0x3A600, s6;
	s13 =	sadd.s32 s31, s2;
	s5 =	sadd.s32 $0x12600, s7  }
0xf: {  	s8 =	sor.u32 s9, s8;
	s9 =	sadd.s32 s28, s10;
	s10 =	smax.u32 s12, $0x1  }
0x10: {  	s12 =	simm.s32 $0x80;
	s8 =	sshrl.u32 s8, $0x3;
	s9 =	sshrl.u32 s9, $0x3  }
0x11: {  	s8 =	sadd.s32 s8, s6;
	s9 =	sadd.s32 s9, s6;
	s6 =	sor.u32 $0x1C02, s22  }
0x12: {  	s22 =	sor.u32 $0x1C03, s22;
	s7 =	sadd.s32 $0x8AC00, s8;
	s8 =	sadd.s32 $0x2600, s11  }
0x13: {  	s9 =	sadd.s32 $0x94A00, s9;
	s11 =	sshrl.u32 s13, $0x3;
	s13 =	simm.s32 $0x400  }
.LBB2_1:
0x14: {  	[spmem:s11], [sflag:s6] =	dma.local [hbm:s5], $0x2800  }
0x15: {  	[tilespmem:s3], [sflag:$0x3] =	stream.strided.gather [hbm4b:s7+s12], $0x2780, s13, s12, $0x38;
	[tilespmem:$0x1F780] =	vst v63  }
0x16: {  	_ =	swait.ge [sflag:s14], $0x2780  }
0x17: {  	[sflag:s14] =	ssyncset.done $0x0  }
0x18: {  	[sflag:s14] =	ssyncadd.s32 $0xFFFFD880  }
0x19: {  	[tilespmem:s15], [sflag:$0x3] =	stream.linear.gather [hbm4b:s8+s3], $0x4000, $0x38;
	[tilespmem:$0x1F780] =	vst v63  }
0x1a: {  	_ =	swait.ge [sflag:s14], $0x4000  }
0x1b: {  	[sflag:s14] =	ssyncset.done $0x0  }
0x1c: {  	[sflag:s14] =	ssyncadd.s32 $0xFFFFC000  }
0x1d: {  	[tilespmem:s17], [sflag:$0x1] =	stream.indirect.gather [hbm4b:s4+s16], $0x80, s3, s16, $0xb8;
	[tilespmem:$0x1F780] =	vst v63  }
0x1e: {  	_ =	swait.ge [sflag:s18], $0x2800  }
0x1f: {  	[sflag:s18] =	ssyncset.done $0x0  }
0x20: {  	[sflag:s18] =	ssyncadd.s32 $0xFFFFD800  }
0x21: {  	s24 =	simm.s32 $0x50;
	[bflag:$0x0] =	sbarrier.arrive $0xFFFF  }
0x22: {  	[tilespmem:s19], [sflag:$0x2] =	stream.indirect.gather [hbm4b:s4+s16], $0x80, s24, s16, $0xb8;
	[tilespmem:$0x1F780] =	vst v63  }
0x23: {  	_ =	swait.ge [sflag:s20], $0x2800  }
0x24: {  	[sflag:s20] =	ssyncset.done $0x0  }
0x25: {  	s29 =	simm.s32 $0x2780;
	[sflag:s20] =	ssyncadd.s32 $0xFFFFD800  }
0x26: {  	[spmem:s2] =	stream.indirect.scatter.add.f32 [tilespmem:s17], [sflag:$0x3], $0x80, s29, s16, $0xb8;
	[tilespmem:$0x1F780] =	vst v63  }
0x27: {  	_ =	swait.ge [sflag:s14], $0x2800  }
0x28: {  	[sflag:s14] =	ssyncset.done $0x0  }
0x29: {  	s30 =	simm.s32 $0xA0;
	[sflag:s14] =	ssyncadd.s32 $0xFFFFD800  }
0x2a: {  	[tilespmem:s17], [sflag:$0x1] =	stream.indirect.gather [hbm4b:s4+s16], $0x80, s30, s16, $0xb8;
	[tilespmem:$0x1F780] =	vst v63  }
0x2b: {  	_ =	swait.ge [sflag:s18], $0x2800  }
0x2c: {  	[sflag:s18] =	ssyncset.done $0x0  }
0x2d: {  	s31 =	simm.s32 $0x2800;
	[sflag:s18] =	ssyncadd.s32 $0xFFFFD800  }
0x2e: {  	[spmem:s2] =	stream.indirect.scatter.add.f32 [tilespmem:s19], [sflag:$0x3], $0x80, s31, s16, $0xb8;
	[tilespmem:$0x1F780] =	vst v63  }
0x2f: {  	s25 =	simm.s32 $0x400;
	_ =	swait.ge [sflag:s14], $0x2800  }
0x30: {  	s26 =	simm.s32 $0x800;
	s24 =	simm.s32 $0x140;
	[sflag:s14] =	ssyncset.done $0x0  }
.LBB2_2:
0x31: {  	p0 =	sne.s32 s26, $0xF400;
	s28 =	sadd.s32 $0xFFFFFFB0, s24;
	[sflag:s14] =	ssyncadd.s32 $0xFFFFD800  }
0x32: {  	[tilespmem:s19], [sflag:$0x2] =	stream.indirect.gather [hbm4b:s4+s16], $0x80, s28, s16, $0xb8;
	[tilespmem:$0x1F780] =	vst v63  }
0x33: {  	s28 =	smov.u32 s26;
	s26 =	sadd.s32 $0x400, s26;
	_ =	swait.ge [sflag:s20], $0x2800  }
0x34: {  	s29 =	sshra.s32 s25, $0x2;
	s25 =	smov.u32 s28;
	[sflag:s20] =	ssyncset.done $0x0  }
0x35: {  	s28 =	sadd.s32 $0x2780, s29;
	[sflag:s20] =	ssyncadd.s32 $0xFFFFD800  }
0x36: {  	[spmem:s2] =	stream.indirect.scatter.add.f32 [tilespmem:s17], [sflag:$0x3], $0x80, s28, s16, $0xb8;
	[tilespmem:$0x1F780] =	vst v63  }
0x37: {  	_ =	swait.ge [sflag:s14], $0x2800  }
0x38: {  	[sflag:s14] =	ssyncset.done $0x0  }
0x39: {  	[sflag:s14] =	ssyncadd.s32 $0xFFFFD800  }
0x3a: {  	[tilespmem:s17], [sflag:$0x1] =	stream.indirect.gather [hbm4b:s4+s16], $0x80, s24, s16, $0xb8;
	[tilespmem:$0x1F780] =	vst v63  }
0x3b: {  	_ =	swait.ge [sflag:s18], $0x2800  }
.Ltmp0:
0x3c: {  	[sflag:s18] =	ssyncset.done $0x0;
	(pc) =	sbr.rel @p0 .LBB2_2-.Ltmp0, $4  }
0x3d: {  	s28 =	sadd.s32 $0x2800, s29;
	[sflag:s18] =	ssyncadd.s32 $0xFFFFD800  }
0x3e: {  	[spmem:s2] =	stream.indirect.scatter.add.f32 [tilespmem:s19], [sflag:$0x3], $0x80, s28, s16, $0xb8;
	[tilespmem:$0x1F780] =	vst v63  }
0x3f: {  	_ =	swait.ge [sflag:s14], $0x2800  }
0x40: {  	s24 =	sadd.s32 $0xA0, s24;
	[sflag:s14] =	ssyncset.done $0x0  }
0x41: {  	s26 =	sadd.s32 $0xFFFFFFB0, s24;
	[sflag:s14] =	ssyncadd.s32 $0xFFFFD800  }
0x42: {  	[tilespmem:s19], [sflag:$0x2] =	stream.indirect.gather [hbm4b:s4+s16], $0x80, s26, s16, $0xb8;
	[tilespmem:$0x1F780] =	vst v63  }
0x43: {  	_ =	swait.ge [sflag:s20], $0x2800  }
0x44: {  	s25 =	sshra.s32 s25, $0x2;
	[sflag:s20] =	ssyncset.done $0x0  }
0x45: {  	s30 =	sadd.s32 $0x2780, s25;
	[sflag:s20] =	ssyncadd.s32 $0xFFFFD800  }
0x46: {  	[spmem:s2] =	stream.indirect.scatter.add.f32 [tilespmem:s17], [sflag:$0x3], $0x80, s30, s16, $0xb8;
	[tilespmem:$0x1F780] =	vst v63  }
0x47: {  	_ =	swait.ge [sflag:s14], $0x2800  }
0x48: {  	[sflag:s14] =	ssyncset.done $0x0  }
0x49: {  	[sflag:s14] =	ssyncadd.s32 $0xFFFFD800  }
0x4a: {  	[tilespmem:s17], [sflag:$0x1] =	stream.indirect.gather [hbm4b:s4+s16], $0x80, s24, s16, $0xb8;
	[tilespmem:$0x1F780] =	vst v63  }
0x4b: {  	_ =	swait.ge [sflag:s18], $0x2800  }
0x4c: {  	[sflag:s18] =	ssyncset.done $0x0  }
0x4d: {  	s31 =	sadd.s32 $0x2800, s25;
	[sflag:s18] =	ssyncadd.s32 $0xFFFFD800  }
0x4e: {  	[spmem:s2] =	stream.indirect.scatter.add.f32 [tilespmem:s19], [sflag:$0x3], $0x80, s31, s16, $0xb8;
	[tilespmem:$0x1F780] =	vst v63  }
0x4f: {  	_ =	swait.ge [sflag:s14], $0x2800  }
0x50: {  	[sflag:s14] =	ssyncset.done $0x0  }
0x51: {  	[sflag:s14] =	ssyncadd.s32 $0xFFFFD800  }
0x52: {  	_ =	swait.ge [sflag:s20], $0x2800  }
0x53: {  	[sflag:s20] =	ssyncset.done $0x0  }
0x54: {  	[sflag:s20] =	ssyncadd.s32 $0xFFFFD800  }
0x55: {  	[spmem:s2] =	stream.indirect.scatter.add.f32 [tilespmem:s17], [sflag:$0x3], $0x80, s21, s16, $0xb8;
	[tilespmem:$0x1F780] =	vst v63  }
0x56: {  	_ =	swait.ge [sflag:s14], $0x2800  }
0x57: {  	s23 =	sadd.s32 $0x1, s23;
	[sflag:s14] =	ssyncset.done $0x0  }
0x58: {  	p0 =	sne.s32 s23, s10;
	[sflag:s14] =	ssyncadd.s32 $0xFFFFD800  }
.Ltmp1:
0x59: {  	[bflag:$0x0] =	sbarrier.arrive $0xFFFF;
	(pc) =	sbr.rel @p0 .LBB2_1-.Ltmp1, $4  }
0x5a: {  	[hbm:s9], [sflag:s22] =	dma.local [spmem:s11], $0x2800  }
0x5b: {  	_ =	swait.ge [sflag:s14], $0x2800  }
0x5c: {  	[sflag:s14] =	ssyncset.done $0x0  }
0x5d: {  	[sflag:s14] =	ssyncadd.s32 $0xFFFFD800  }
0x5e: {  	_ =	sfence.sel $0x180000  }
0x5f: {  	[bflag:$0x0] =	sbarrier.arrive $0xFFFF  }
0x60: {  	p0 =	sne.s32 s0, $0x0;
	_ =	strace $0x9000004A  }
0x61: {  	s0 =	sadd.s32 @!p0 $0x100000, s1;
	[bflag:$0x2] =	sbarrier.arrive $0xFFFF  }
0x62: {  	[sflag:s0] =	ssyncadd.tile.s32 @!p0 $0x1;
	_ =	shalt  }
.Lfunc_end2:
_tile_overlayer_lowered:
.L_overlay_start_2:
0x63: {  	(tag) =	ssettag $0x2  }
0x64: {  	s0 =	rddreg [dreg:$0x0];
	s2 =	stileid.u32  }
0x65: {  	s1 =	rddreg [dreg:$0x1];
	p0 =	sne.s32 s2, $0x0  }
0x66: {  	s3 =	rddreg [dreg:$0x2];
	[bflag:$0x3] =	sbarrier.arrive $0xFFFF;
	s2 =	simm.s32 @!p0 $0x1C03  }
0x67: {  	[timem:s3], [sflag:s2] =	dma.local @!p0 [hbm:s0], s1  }
0x68: {  	s0 =	simm.s32 @!p0 $0x3  }
0x69: {  	_ =	swait.ge @!p0 [sflag:s0], s1  }
0x6a: {  	s1 =	ssub.s32 @!p0 $0x0, s1;
	[sflag:s0] =	ssyncset.done @!p0 $0x0  }
0x6b: {  	[sflag:s0] =	ssyncadd.s32 @!p0 s1  }
0x6c: {  	[bflag:$0x3] =	sbarrier.arrive $0xFFFF  }
0x6d: {  	_ =	shalt  }

// kernel: kernel.14.cloned.1.call-start
scs
__scs_entry_jumppad:
0x0: {  	(pc) =	sbr.rel $0x88, $3  }
0x1: {  	(tag) =	ssettag $0x0;
	lr =	simm.s32 $0x1  }
0x2: {  	[smem:$0x3F96] =	sst lr;
	_ =	strace $0xD0000000  }
0x3: {  	_ = 	snop  }
0x4: {  	_ = 	snop  }
0x5: {  	_ = 	snop  }
0x6: {  	_ = 	snop  }
0x7: {  	_ = 	snop  }
__scs_overlays_trampoline_lowered:
0x8: {  	[smem:$0x3FA5] =	sst s0  }
0x9: {  	[smem:$0x3FA6] =	sst s1  }
0xa: {  	[smem:$0x3FA7] =	sst s2  }
0xb: {  	[smem:$0x3FA8] =	sst s3  }
0xc: {  	[smem:$0x3FA9] =	sst s4  }
0xd: {  	[smem:$0x3FAA] =	sst s5  }
0xe: {  	[smem:$0x3FAB] =	sst s6  }
0xf: {  	[smem:$0x3FAC] =	sst s7  }
0x10: {  	[smem:$0x3FAD] =	sst s8  }
0x11: {  	[smem:$0x3FAE] =	sst s9;
	s0 =	simm.s32 @!p0 $0x0  }
0x12: {  	s1 =	sld [smem:$0x3F94];
	s0 =	simm.s32 @p0 $0x1  }
0x13: {  	[smem:$0x3FAF] =	sst s0;
	s0 =	simm.s32 @!p1 $0x0  }
0x14: {  	s2 =	sld [smem:$0x3F93];
	s0 =	simm.s32 @p1 $0x1  }
0x15: {  	[smem:$0x3FB0] =	sst s0;
	s0 =	simm.s32 @!p2 $0x0  }
0x16: {  	s3 =	sld [smem:$0x3FDB];
	s0 =	simm.s32 @p2 $0x1  }
0x17: {  	s4 =	simm.s32 $0x1BF5;
	[smem:$0x3FB2] =	sst s0  }
0x18: {  	s0 =	sld [smem:$0x3F95];
	_ =	swait.ge [sflag:s4], $0x0  }
0x19: {  	s7 =	sld [smem:$0x3F96]  }
0x1a: {  	s8 =	sadd.s32 $0xFFFFE003, lr  }
0x1b: {  	s9 =	sadd.s32 $0xFFFFFEF7, lr;
	s5 =	simm.s32 $0xFFFFFFFF;
	p2 =	slt.u32 s8, $0xFFFFF086  }
0x1c: {  	p1 =	slt.u32 s9, $0xF7A;
	s5 =	simm.s32 @!p2 $0x0  }
0x1d: {  	s5 =	simm.s32 @p1 $0x1;
	p0 =	seq.s32 s7, s2  }
0x1e: {  	s7 =	smul.u32 @!p0 $0xF7A, s2;
	p2 =	seq.s32 @!p0 s5, $0x0  }
0x1f: {  	s9 =	smul.u32 $0xF7A, s1;
	s8 =	simm.s32 @!p0 $0x1BF5;
	p2 =	por !p2, p0  }
0x20: {  	[sflag:s8] =	ssyncset.s32 @!p0 $0xFFFFF086;
	s6 =	sadd.s32 @!p0 s3, s7;
	s7 =	simm.s32 @!p0 $0x108  }
0x21: {  	s3 =	sadd.s32 s3, s9;
	s6 =	sadd.s32 @!p0 $0x88, s6;
	s7 =	simm.s32 @p2 $0x1082  }
0x22: {  	[simem:s7], [sflag:s8] =	dma.local @!p0 [hbm:s6], $0xF7A  }
0x23: {  	s9 =	sor.u32 $0xD0000000, s2;
	s6 =	simm.s32 $0x108;
	_ =	swait.ge @!p0 [sflag:s8], $0x0  }
0x24: {  	s3 =	sadd.s32 $0x88, s3;
	s6 =	simm.s32 @!p1 $0x1082;
	[sflag:s4] =	ssyncset.s32 $0xFFFFF086  }
0x25: {  	[simem:s6], [sflag:s4] =	dma.local [hbm:s3], $0xF7A  }
0x26: {  	[smem:$0x3F96] =	sst s1;
	(tag) =	ssettag s2;
	_ =	strace s9  }
0x27: {  	s1 =	sld [smem:$0x3FA6]  }
0x28: {  	s2 =	sld [smem:$0x3FA7]  }
0x29: {  	s4 =	sld [smem:$0x3FA9]  }
0x2a: {  	p0 =	seq.s32 s5, $0x0;
	s5 =	sld [smem:$0x3FAA]  }
0x2b: {  	s6 =	sld [smem:$0x3FAB]  }
0x2c: {  	s7 =	sld [smem:$0x3FAC]  }
0x2d: {  	s3 =	simm.s32 $0x108;
	s8 =	sld [smem:$0x3FAD]  }
0x2e: {  	s3 =	simm.s32 @!p0 $0x1082;
	s9 =	sld [smem:$0x3FAE]  }
0x2f: {  	lr =	sadd.s32 s0, s3;
	s0 =	sld [smem:$0x3FA5]  }
0x30: {  	s3 =	sld [smem:$0x3FA8]  }
0x31: {  	[smem:$0x3FB1] =	sst s10  }
0x32: {  	s10 =	sld [smem:$0x3FAF];
	_ =	sdelay $0x3  }
0x33: {  	p0 =	seq.s32 s10, $0x1;
	s10 =	sld [smem:$0x3FB1];
	_ =	sdelay $0x3  }
0x34: {  	[smem:$0x3FB1] =	sst s10  }
0x35: {  	s10 =	sld [smem:$0x3FB0];
	_ =	sdelay $0x3  }
0x36: {  	p1 =	seq.s32 s10, $0x1;
	s10 =	sld [smem:$0x3FB1];
	_ =	sdelay $0x3  }
0x37: {  	[smem:$0x3FB1] =	sst s10  }
0x38: {  	s10 =	sld [smem:$0x3FB2]  }
0x39: {  	_ = 	snop;
	(pc) =	sbr.ind lr, $3  }
0x3a: {  	_ = 	snop  }
0x3b: {  	_ = 	snop  }
0x3c: {  	p2 =	seq.s32 s10, $0x1;
	s10 =	sld [smem:$0x3FB1]  }
0x3d: {  	_ =	shalt  }
0x3e: {  	_ =	shalt  }
0x3f: {  	_ =	shalt  }
0x40: {  	_ =	shalt  }
0x41: {  	_ =	shalt  }
0x42: {  	_ =	shalt  }
0x43: {  	_ =	shalt  }
0x44: {  	_ =	shalt  }
0x45: {  	_ =	shalt  }
0x46: {  	_ =	shalt  }
0x47: {  	_ =	shalt  }
0x48: {  	_ =	shalt  }
0x49: {  	_ =	shalt  }
0x4a: {  	_ =	shalt  }
0x4b: {  	_ =	shalt  }
0x4c: {  	_ =	shalt  }
0x4d: {  	_ =	shalt  }
0x4e: {  	_ =	shalt  }
0x4f: {  	_ =	shalt  }
0x50: {  	_ =	shalt  }
0x51: {  	_ =	shalt  }
0x52: {  	_ =	shalt  }
0x53: {  	_ =	shalt  }
0x54: {  	_ =	shalt  }
0x55: {  	_ =	shalt  }
0x56: {  	_ =	shalt  }
0x57: {  	_ =	shalt  }
0x58: {  	_ =	shalt  }
0x59: {  	_ =	shalt  }
0x5a: {  	_ =	shalt  }
0x5b: {  	_ =	shalt  }
0x5c: {  	_ =	shalt  }
0x5d: {  	_ =	shalt  }
0x5e: {  	_ =	shalt  }
0x5f: {  	_ =	shalt  }
0x60: {  	_ =	shalt  }
0x61: {  	_ =	shalt  }
0x62: {  	_ =	shalt  }
0x63: {  	_ =	shalt  }
0x64: {  	_ =	shalt  }
0x65: {  	_ =	shalt  }
0x66: {  	_ =	shalt  }
0x67: {  	_ =	shalt  }
0x68: {  	_ =	shalt  }
0x69: {  	_ =	shalt  }
0x6a: {  	_ =	shalt  }
0x6b: {  	_ =	shalt  }
0x6c: {  	_ =	shalt  }
0x6d: {  	_ =	shalt  }
0x6e: {  	_ =	shalt  }
0x6f: {  	_ =	shalt  }
0x70: {  	_ =	shalt  }
0x71: {  	_ =	shalt  }
0x72: {  	_ =	shalt  }
0x73: {  	_ =	shalt  }
0x74: {  	_ =	shalt  }
0x75: {  	_ =	shalt  }
0x76: {  	_ =	shalt  }
0x77: {  	_ =	shalt  }
0x78: {  	_ =	shalt  }
0x79: {  	_ =	shalt  }
0x7a: {  	_ =	shalt  }
0x7b: {  	_ =	shalt  }
0x7c: {  	_ =	shalt  }
0x7d: {  	_ =	shalt  }
0x7e: {  	_ =	shalt  }
0x7f: {  	_ =	shalt  }
0x80: {  	_ =	shalt  }
0x81: {  	_ =	shalt  }
0x82: {  	_ =	shalt  }
0x83: {  	_ =	shalt  }
0x84: {  	_ =	shalt  }
0x85: {  	_ =	shalt  }
0x86: {  	_ =	shalt  }
0x87: {  	_ =	shalt  }
.Lfunc_end0:
.L_simem_size_0:
called_computation.2_lowered:
.L_overlay_start_0:
0x88: {  	s2 =	sld [smem:$0x3FD9]  }
0x89: {  	s3 =	sld [smem:$0x3FFE];
	_ =	sdelay $0x1  }
0x8a: {  	s1 =	srdreg.scid  }
0x8b: {  	s0 =	sand.u32 $0x1, s1  }
0x8c: {  	s16 =	sshll.u32 s0, $0xA;
	s2 =	sadd.s32 s3, s2  }
0x8d: {  	s2 =	sadd.s32 s2, s16  }
0x8e: {  	[smem:$0x3FBD] =	sst s2  }
0x8f: {  	_ = 	snop  }
0x90: {  	(tm) =	ssettm $0x1  }
0x91: {  	s17 =	sld [smem:$0x3FFB];
	_ =	sdelay $0x3  }
0x92: {  	_ =	strace s17  }
0x93: {  	s2 =	sld [smem:$0x3FFC];
	_ =	sdelay $0x3  }
0x94: {  	_ =	strace s2  }
0x95: {  	s2 =	sld [smem:$0x3FFD];
	_ =	sdelay $0x3  }
0x96: {  	_ =	strace s2  }
0x97: {  	_ =	strace $0x8FFFFFFF  }
0x98: {  	s18 =	sld [smem:$0x3FDB];
	_ =	sdelay $0x1  }
0x99: {  	s19 =	simm.s32 $_scs_section_size  }
0x9a: {  	s4 =	simm.s32 $_size__tile_overlayer_lowered;
	s5 =	simm.s32 $_tile_overlayer_lowered  }
0x9b: {  	s22 =	simm.s32 $0x1BFF;
	s21 =	sshll.u32 s5, $0x1;
	s2 =	sadd.s32 s19, s18  }
0x9c: {  	s6 =	simm.s32 $0x0;
	s20 =	sshll.u32 s4, $0x1;
	s4 =	sadd.s32 s21, s2  }
0x9d: {  	[timem:s6], [sflag:s22] =	dma.local [hbm:s4], s20  }
0x9e: {  	_ =	swait.ge [sflag:s22], s20  }
0x9f: {  	s3 =	ssub.s32 $0x0, s20;
	[sflag:s22] =	ssyncset.done $0x0  }
0xa0: {  	[sflag:s22] =	ssyncadd.s32 s3;
	_ =	sdelay $0x1  }
0xa1: {  	s23 =	simm.s32 $0x1B8B  }
0xa2: {  	_ =	swait.ge [sflag:s23], $0x1  }
0xa3: {  	[sflag:s23] =	ssyncset.done $0x0  }
0xa4: {  	s25 =	simm.s32 $0x1B8E;
	s24 =	sld [smem:$0x3FFE];
	[sflag:s23] =	ssyncadd.s32 $0xFFFFFFFF  }
0xa5: {  	s26 =	simm.s32 $execute0_lowered;
	[smem:$0x3FD2] =	sst s25  }
0xa6: {  	s4 =	sshll.u32 s26, $0x1;
	_ =	strace $0x8000004C;
	[dreg:$0x1] =	wrdreg $0xFFFFFFFF  }
0xa7: {  	s28 =	simm.s32 $_size_execute0_lowered;
	s2 =	sadd.s32 s2, s4;
	[dreg:$0x0] =	wrdreg $0x0  }
0xa8: {  	s4 =	sshll.u32 s28, $0x1;
	[dreg:$0x2] =	wrdreg s2  }
0xa9: {  	[dreg:$0x3] =	wrdreg s4  }
0xaa: {  	[dreg:$0x4] =	wrdreg $0xC0  }
0xab: {  	_ =	task [dreg:s6], $0x5FFFF  }
0xac: {  	[dreg:$0x1] =	wrdreg $0xFFFFFFFF  }
0xad: {  	[dreg:$0x0] =	wrdreg $0x60  }
0xae: {  	[dreg:$0x2] =	wrdreg s24  }
0xaf: {  	[dreg:$0x3] =	wrdreg $0xB7800  }
0xb0: {  	[dreg:$0x4] =	wrdreg $0x9  }
0xb1: {  	_ =	task.clear_ibuf [dreg:s6], $0x5FFFF;
	_ =	strace $0x9000004C  }
0xb2: {  	s29 =	simm.s32 $0x9;
	_ =	strace $0x8000004E  }
0xb3: {  	_ =	swait.ge [sflag:s29], $0x1  }
0xb4: {  	[sflag:s29] =	ssyncadd.s32 $0xFFFFFFFF  }
0xb5: {  	_ =	strace $0x9000004E  }
0xb6: {  	_ =	sfence  }
0xb7: {  	s30 =	sld [smem:$0x0];
	_ =	sdelay $0x2  }
0xb8: {  	s31 =	sshll.u32 s1, $0xD;
	s1 =	sshrl.u32 s1, $0x2  }
0xb9: {  	s3 =	sand.u32 $0x4000, s31;
	s1 =	sadd.s32 s1, s30  }
0xba: {  	s0 =	sor.u32 s3, s0;
	s1 =	sshll.u32 s1, $0x11  }
0xbb: {  	s0 =	sor.u32 s1, s0  }
0xbc: {  	s0 =	sadd.s32 $0x8F2B, s0  }
0xbd: {  	[sflag:s0] =	ssyncadd.remote.s32 $0x1  }
0xbe: {  	_ =	sfence.sel $0xFFFF  }
0xbf: {  	[dreg:$0x0] =	wrdreg $0xFFFFFFFF;
	(pc) =	sbr.abs _section_cstart, $3  }
0xc0: {  	[dreg:$0x1] =	wrdreg $0xFFFFFFFF  }
0xc1: {  	_ =	task.clear_ibuf [dreg:s6], $0x2FFFF;
	_ =	strace $0x9FFFFFFF  }
0xc2: {  	(tm) =	ssettm $0x7FFFFFFF  }
0xc3: {  	_ =	shalt  }
tec
execute0_lowered:
.L_overlay_start_1:
0x0: {  	(tag) =	ssettag $0x1  }
0x1: {  	s6 =	rddreg [dreg:$0x0]  }
0x2: {  	s0 =	srdreg.scid;
	s2 =	rddreg [dreg:$0x1]  }
0x3: {  	s3 =	simm.s32 $0x0;
	s14 =	simm.s32 $0x3;
	s15 =	simm.s32 $0x2780  }
0x4: {  	s16 =	simm.s32 $0x50;
	s17 =	simm.s32 $0x6780;
	s18 =	simm.s32 $0x2  }
0x5: {  	s19 =	simm.s32 $0x8F80;
	s20 =	simm.s32 $0x1;
	s21 =	simm.s32 $0x6580  }
0x6: {  	s23 =	simm.s32 $0x0;
	s5 =	sand.u32 $0x1, s0;
	s0 =	stileid.u32  }
0x7: {  	[smem:$0x7FF] =	sst s3;
	s1 =	sshll.u32 s5, $0x4;
	s28 =	smul.u32 $0x14000, s0  }
0x8: {  	s26 =	sshll.u32 s0, $0x7;
	s10 =	smul.u32 $0x140000, s5;
	s5 =	ssub.s32 $0x2, s5  }
0x9: {  	s30 =	smul.u32 $0x50000, s0;
	s22 =	sshll.u32 s0, $0x6;
	s7 =	sor.u32 s0, s1  }
0xa: {  	s1 =	rddreg [dreg:$0x2];
	_ =	strace $0x8000004D;
	s9 =	sand.u32 $0x380, s26  }
0xb: {  	s12 =	sshrl.u32 s5, $0x1;
	s4 =	sshrl.u32 s7, $0x3;
	s7 =	sshll.u32 s7, $0xB  }
0xc: {  	s29 =	sshrl.u32 s28, $0x3;
	s12 =	ssub.s32 s5, s12;
	s31 =	sshrl.u32 s30, $0x2  }
0xd: {  	s8 =	smul.u32 $0x13C00, s4;
	s11 =	sadd.s32 s7, s6;
	s7 =	sadd.s32 s29, s6  }
0xe: {  	s4 =	sadd.s32 $0x3A600, s6;
	s13 =	sadd.s32 s31, s2;
	s5 =	sadd.s32 $0x12600, s7  }
0xf: {  	s8 =	sor.u32 s9, s8;
	s9 =	sadd.s32 s28, s10;
	s10 =	smax.u32 s12, $0x1  }
0x10: {  	s12 =	simm.s32 $0x80;
	s8 =	sshrl.u32 s8, $0x3;
	s9 =	sshrl.u32 s9, $0x3  }
0x11: {  	s8 =	sadd.s32 s8, s6;
	s9 =	sadd.s32 s9, s6;
	s6 =	sor.u32 $0x1C02, s22  }
0x12: {  	s22 =	sor.u32 $0x1C03, s22;
	s7 =	sadd.s32 $0x8AC00, s8;
	s8 =	sadd.s32 $0x2600, s11  }
0x13: {  	s9 =	sadd.s32 $0x94A00, s9;
	s11 =	sshrl.u32 s13, $0x3;
	s13 =	simm.s32 $0x400  }
.LBB2_1:
0x14: {  	[spmem:s11], [sflag:s6] =	dma.local [hbm:s5], $0x2800  }
0x15: {  	[tilespmem:s3], [sflag:$0x3] =	stream.strided.gather [hbm4b:s7+s12], $0x2780, s13, s12, $0x38;
	[tilespmem:$0x1F780] =	vst v63  }
0x16: {  	_ =	swait.ge [sflag:s14], $0x2780  }
0x17: {  	[sflag:s14] =	ssyncset.done $0x0  }
0x18: {  	[sflag:s14] =	ssyncadd.s32 $0xFFFFD880  }
0x19: {  	[tilespmem:s15], [sflag:$0x3] =	stream.linear.gather [hbm4b:s8+s3], $0x4000, $0x38;
	[tilespmem:$0x1F780] =	vst v63  }
0x1a: {  	_ =	swait.ge [sflag:s14], $0x4000  }
0x1b: {  	[sflag:s14] =	ssyncset.done $0x0  }
0x1c: {  	[sflag:s14] =	ssyncadd.s32 $0xFFFFC000  }
0x1d: {  	[tilespmem:s17], [sflag:$0x1] =	stream.indirect.gather [hbm4b:s4+s16], $0x80, s3, s16, $0xb8;
	[tilespmem:$0x1F780] =	vst v63  }
0x1e: {  	_ =	swait.ge [sflag:s18], $0x2800  }
0x1f: {  	[sflag:s18] =	ssyncset.done $0x0  }
0x20: {  	[sflag:s18] =	ssyncadd.s32 $0xFFFFD800  }
0x21: {  	s24 =	simm.s32 $0x50;
	[bflag:$0x0] =	sbarrier.arrive $0xFFFF  }
0x22: {  	[tilespmem:s19], [sflag:$0x2] =	stream.indirect.gather [hbm4b:s4+s16], $0x80, s24, s16, $0xb8;
	[tilespmem:$0x1F780] =	vst v63  }
0x23: {  	_ =	swait.ge [sflag:s20], $0x2800  }
0x24: {  	[sflag:s20] =	ssyncset.done $0x0  }
0x25: {  	s29 =	simm.s32 $0x2780;
	[sflag:s20] =	ssyncadd.s32 $0xFFFFD800  }
0x26: {  	[spmem:s2] =	stream.indirect.scatter.add.f32 [tilespmem:s17], [sflag:$0x3], $0x80, s29, s16, $0xb8;
	[tilespmem:$0x1F780] =	vst v63  }
0x27: {  	_ =	swait.ge [sflag:s14], $0x2800  }
0x28: {  	[sflag:s14] =	ssyncset.done $0x0  }
0x29: {  	s30 =	simm.s32 $0xA0;
	[sflag:s14] =	ssyncadd.s32 $0xFFFFD800  }
0x2a: {  	[tilespmem:s17], [sflag:$0x1] =	stream.indirect.gather [hbm4b:s4+s16], $0x80, s30, s16, $0xb8;
	[tilespmem:$0x1F780] =	vst v63  }
0x2b: {  	_ =	swait.ge [sflag:s18], $0x2800  }
0x2c: {  	[sflag:s18] =	ssyncset.done $0x0  }
0x2d: {  	s31 =	simm.s32 $0x2800;
	[sflag:s18] =	ssyncadd.s32 $0xFFFFD800  }
0x2e: {  	[spmem:s2] =	stream.indirect.scatter.add.f32 [tilespmem:s19], [sflag:$0x3], $0x80, s31, s16, $0xb8;
	[tilespmem:$0x1F780] =	vst v63  }
0x2f: {  	s25 =	simm.s32 $0x400;
	_ =	swait.ge [sflag:s14], $0x2800  }
0x30: {  	s26 =	simm.s32 $0x800;
	s24 =	simm.s32 $0x140;
	[sflag:s14] =	ssyncset.done $0x0  }
.LBB2_2:
0x31: {  	p0 =	sne.s32 s26, $0xF400;
	s28 =	sadd.s32 $0xFFFFFFB0, s24;
	[sflag:s14] =	ssyncadd.s32 $0xFFFFD800  }
0x32: {  	[tilespmem:s19], [sflag:$0x2] =	stream.indirect.gather [hbm4b:s4+s16], $0x80, s28, s16, $0xb8;
	[tilespmem:$0x1F780] =	vst v63  }
0x33: {  	s28 =	smov.u32 s26;
	s26 =	sadd.s32 $0x400, s26;
	_ =	swait.ge [sflag:s20], $0x2800  }
0x34: {  	s29 =	sshra.s32 s25, $0x2;
	s25 =	smov.u32 s28;
	[sflag:s20] =	ssyncset.done $0x0  }
0x35: {  	s28 =	sadd.s32 $0x2780, s29;
	[sflag:s20] =	ssyncadd.s32 $0xFFFFD800  }
0x36: {  	[spmem:s2] =	stream.indirect.scatter.add.f32 [tilespmem:s17], [sflag:$0x3], $0x80, s28, s16, $0xb8;
	[tilespmem:$0x1F780] =	vst v63  }
0x37: {  	_ =	swait.ge [sflag:s14], $0x2800  }
0x38: {  	[sflag:s14] =	ssyncset.done $0x0  }
0x39: {  	[sflag:s14] =	ssyncadd.s32 $0xFFFFD800  }
0x3a: {  	[tilespmem:s17], [sflag:$0x1] =	stream.indirect.gather [hbm4b:s4+s16], $0x80, s24, s16, $0xb8;
	[tilespmem:$0x1F780] =	vst v63  }
0x3b: {  	_ =	swait.ge [sflag:s18], $0x2800  }
.Ltmp0:
0x3c: {  	[sflag:s18] =	ssyncset.done $0x0;
	(pc) =	sbr.rel @p0 .LBB2_2-.Ltmp0, $4  }
0x3d: {  	s28 =	sadd.s32 $0x2800, s29;
	[sflag:s18] =	ssyncadd.s32 $0xFFFFD800  }
0x3e: {  	[spmem:s2] =	stream.indirect.scatter.add.f32 [tilespmem:s19], [sflag:$0x3], $0x80, s28, s16, $0xb8;
	[tilespmem:$0x1F780] =	vst v63  }
0x3f: {  	_ =	swait.ge [sflag:s14], $0x2800  }
0x40: {  	s24 =	sadd.s32 $0xA0, s24;
	[sflag:s14] =	ssyncset.done $0x0  }
0x41: {  	s26 =	sadd.s32 $0xFFFFFFB0, s24;
	[sflag:s14] =	ssyncadd.s32 $0xFFFFD800  }
0x42: {  	[tilespmem:s19], [sflag:$0x2] =	stream.indirect.gather [hbm4b:s4+s16], $0x80, s26, s16, $0xb8;
	[tilespmem:$0x1F780] =	vst v63  }
0x43: {  	_ =	swait.ge [sflag:s20], $0x2800  }
0x44: {  	s25 =	sshra.s32 s25, $0x2;
	[sflag:s20] =	ssyncset.done $0x0  }
0x45: {  	s30 =	sadd.s32 $0x2780, s25;
	[sflag:s20] =	ssyncadd.s32 $0xFFFFD800  }
0x46: {  	[spmem:s2] =	stream.indirect.scatter.add.f32 [tilespmem:s17], [sflag:$0x3], $0x80, s30, s16, $0xb8;
	[tilespmem:$0x1F780] =	vst v63  }
0x47: {  	_ =	swait.ge [sflag:s14], $0x2800  }
0x48: {  	[sflag:s14] =	ssyncset.done $0x0  }
0x49: {  	[sflag:s14] =	ssyncadd.s32 $0xFFFFD800  }
0x4a: {  	[tilespmem:s17], [sflag:$0x1] =	stream.indirect.gather [hbm4b:s4+s16], $0x80, s24, s16, $0xb8;
	[tilespmem:$0x1F780] =	vst v63  }
0x4b: {  	_ =	swait.ge [sflag:s18], $0x2800  }
0x4c: {  	[sflag:s18] =	ssyncset.done $0x0  }
0x4d: {  	s31 =	sadd.s32 $0x2800, s25;
	[sflag:s18] =	ssyncadd.s32 $0xFFFFD800  }
0x4e: {  	[spmem:s2] =	stream.indirect.scatter.add.f32 [tilespmem:s19], [sflag:$0x3], $0x80, s31, s16, $0xb8;
	[tilespmem:$0x1F780] =	vst v63  }
0x4f: {  	_ =	swait.ge [sflag:s14], $0x2800  }
0x50: {  	[sflag:s14] =	ssyncset.done $0x0  }
0x51: {  	[sflag:s14] =	ssyncadd.s32 $0xFFFFD800  }
0x52: {  	_ =	swait.ge [sflag:s20], $0x2800  }
0x53: {  	[sflag:s20] =	ssyncset.done $0x0  }
0x54: {  	[sflag:s20] =	ssyncadd.s32 $0xFFFFD800  }
0x55: {  	[spmem:s2] =	stream.indirect.scatter.add.f32 [tilespmem:s17], [sflag:$0x3], $0x80, s21, s16, $0xb8;
	[tilespmem:$0x1F780] =	vst v63  }
0x56: {  	_ =	swait.ge [sflag:s14], $0x2800  }
0x57: {  	s23 =	sadd.s32 $0x1, s23;
	[sflag:s14] =	ssyncset.done $0x0  }
0x58: {  	p0 =	sne.s32 s23, s10;
	[sflag:s14] =	ssyncadd.s32 $0xFFFFD800  }
.Ltmp1:
0x59: {  	[bflag:$0x0] =	sbarrier.arrive $0xFFFF;
	(pc) =	sbr.rel @p0 .LBB2_1-.Ltmp1, $4  }
0x5a: {  	[hbm:s9], [sflag:s22] =	dma.local [spmem:s11], $0x2800  }
0x5b: {  	_ =	swait.ge [sflag:s14], $0x2800  }
0x5c: {  	[sflag:s14] =	ssyncset.done $0x0  }
0x5d: {  	[sflag:s14] =	ssyncadd.s32 $0xFFFFD800  }
0x5e: {  	_ =	sfence.sel $0x180000  }
0x5f: {  	[bflag:$0x0] =	sbarrier.arrive $0xFFFF  }
0x60: {  	p0 =	sne.s32 s0, $0x0;
	_ =	strace $0x9000004D  }
0x61: {  	s0 =	sadd.s32 @!p0 $0x100000, s1;
	[bflag:$0x2] =	sbarrier.arrive $0xFFFF  }
0x62: {  	[sflag:s0] =	ssyncadd.tile.s32 @!p0 $0x1;
	_ =	shalt  }
.Lfunc_end2:
_tile_overlayer_lowered:
.L_overlay_start_2:
0x63: {  	(tag) =	ssettag $0x2  }
0x64: {  	s0 =	rddreg [dreg:$0x0];
	s2 =	stileid.u32  }
0x65: {  	s1 =	rddreg [dreg:$0x1];
	p0 =	sne.s32 s2, $0x0  }
0x66: {  	s3 =	rddreg [dreg:$0x2];
	[bflag:$0x3] =	sbarrier.arrive $0xFFFF;
	s2 =	simm.s32 @!p0 $0x1C03  }
0x67: {  	[timem:s3], [sflag:s2] =	dma.local @!p0 [hbm:s0], s1  }
0x68: {  	s0 =	simm.s32 @!p0 $0x3  }
0x69: {  	_ =	swait.ge @!p0 [sflag:s0], s1  }
0x6a: {  	s1 =	ssub.s32 @!p0 $0x0, s1;
	[sflag:s0] =	ssyncset.done @!p0 $0x0  }
0x6b: {  	[sflag:s0] =	ssyncadd.s32 @!p0 s1  }
0x6c: {  	[bflag:$0x3] =	sbarrier.arrive $0xFFFF  }
0x6d: {  	_ =	shalt  }

// kernel: kernel.8.cloned.1.call-start
scs
__scs_entry_jumppad:
0x0: {  	(pc) =	sbr.rel $0x88, $3  }
0x1: {  	(tag) =	ssettag $0x0;
	lr =	simm.s32 $0x1  }
0x2: {  	[smem:$0x3F96] =	sst lr;
	_ =	strace $0xD0000000  }
0x3: {  	_ = 	snop  }
0x4: {  	_ = 	snop  }
0x5: {  	_ = 	snop  }
0x6: {  	_ = 	snop  }
0x7: {  	_ = 	snop  }
__scs_overlays_trampoline_lowered:
0x8: {  	[smem:$0x3FA5] =	sst s0  }
0x9: {  	[smem:$0x3FA6] =	sst s1  }
0xa: {  	[smem:$0x3FA7] =	sst s2  }
0xb: {  	[smem:$0x3FA8] =	sst s3  }
0xc: {  	[smem:$0x3FA9] =	sst s4  }
0xd: {  	[smem:$0x3FAA] =	sst s5  }
0xe: {  	[smem:$0x3FAB] =	sst s6  }
0xf: {  	[smem:$0x3FAC] =	sst s7  }
0x10: {  	[smem:$0x3FAD] =	sst s8  }
0x11: {  	[smem:$0x3FAE] =	sst s9;
	s0 =	simm.s32 @!p0 $0x0  }
0x12: {  	s1 =	sld [smem:$0x3F94];
	s0 =	simm.s32 @p0 $0x1  }
0x13: {  	[smem:$0x3FAF] =	sst s0;
	s0 =	simm.s32 @!p1 $0x0  }
0x14: {  	s2 =	sld [smem:$0x3F93];
	s0 =	simm.s32 @p1 $0x1  }
0x15: {  	[smem:$0x3FB0] =	sst s0;
	s0 =	simm.s32 @!p2 $0x0  }
0x16: {  	s3 =	sld [smem:$0x3FDB];
	s0 =	simm.s32 @p2 $0x1  }
0x17: {  	s4 =	simm.s32 $0x1BF5;
	[smem:$0x3FB2] =	sst s0  }
0x18: {  	s0 =	sld [smem:$0x3F95];
	_ =	swait.ge [sflag:s4], $0x0  }
0x19: {  	s7 =	sld [smem:$0x3F96]  }
0x1a: {  	s8 =	sadd.s32 $0xFFFFE003, lr  }
0x1b: {  	s9 =	sadd.s32 $0xFFFFFEF7, lr;
	s5 =	simm.s32 $0xFFFFFFFF;
	p2 =	slt.u32 s8, $0xFFFFF086  }
0x1c: {  	p1 =	slt.u32 s9, $0xF7A;
	s5 =	simm.s32 @!p2 $0x0  }
0x1d: {  	s5 =	simm.s32 @p1 $0x1;
	p0 =	seq.s32 s7, s2  }
0x1e: {  	s7 =	smul.u32 @!p0 $0xF7A, s2;
	p2 =	seq.s32 @!p0 s5, $0x0  }
0x1f: {  	s9 =	smul.u32 $0xF7A, s1;
	s8 =	simm.s32 @!p0 $0x1BF5;
	p2 =	por !p2, p0  }
0x20: {  	[sflag:s8] =	ssyncset.s32 @!p0 $0xFFFFF086;
	s6 =	sadd.s32 @!p0 s3, s7;
	s7 =	simm.s32 @!p0 $0x108  }
0x21: {  	s3 =	sadd.s32 s3, s9;
	s6 =	sadd.s32 @!p0 $0x88, s6;
	s7 =	simm.s32 @p2 $0x1082  }
0x22: {  	[simem:s7], [sflag:s8] =	dma.local @!p0 [hbm:s6], $0xF7A  }
0x23: {  	s9 =	sor.u32 $0xD0000000, s2;
	s6 =	simm.s32 $0x108;
	_ =	swait.ge @!p0 [sflag:s8], $0x0  }
0x24: {  	s3 =	sadd.s32 $0x88, s3;
	s6 =	simm.s32 @!p1 $0x1082;
	[sflag:s4] =	ssyncset.s32 $0xFFFFF086  }
0x25: {  	[simem:s6], [sflag:s4] =	dma.local [hbm:s3], $0xF7A  }
0x26: {  	[smem:$0x3F96] =	sst s1;
	(tag) =	ssettag s2;
	_ =	strace s9  }
0x27: {  	s1 =	sld [smem:$0x3FA6]  }
0x28: {  	s2 =	sld [smem:$0x3FA7]  }
0x29: {  	s4 =	sld [smem:$0x3FA9]  }
0x2a: {  	p0 =	seq.s32 s5, $0x0;
	s5 =	sld [smem:$0x3FAA]  }
0x2b: {  	s6 =	sld [smem:$0x3FAB]  }
0x2c: {  	s7 =	sld [smem:$0x3FAC]  }
0x2d: {  	s3 =	simm.s32 $0x108;
	s8 =	sld [smem:$0x3FAD]  }
0x2e: {  	s3 =	simm.s32 @!p0 $0x1082;
	s9 =	sld [smem:$0x3FAE]  }
0x2f: {  	lr =	sadd.s32 s0, s3;
	s0 =	sld [smem:$0x3FA5]  }
0x30: {  	s3 =	sld [smem:$0x3FA8]  }
0x31: {  	[smem:$0x3FB1] =	sst s10  }
0x32: {  	s10 =	sld [smem:$0x3FAF];
	_ =	sdelay $0x3  }
0x33: {  	p0 =	seq.s32 s10, $0x1;
	s10 =	sld [smem:$0x3FB1];
	_ =	sdelay $0x3  }
0x34: {  	[smem:$0x3FB1] =	sst s10  }
0x35: {  	s10 =	sld [smem:$0x3FB0];
	_ =	sdelay $0x3  }
0x36: {  	p1 =	seq.s32 s10, $0x1;
	s10 =	sld [smem:$0x3FB1];
	_ =	sdelay $0x3  }
0x37: {  	[smem:$0x3FB1] =	sst s10  }
0x38: {  	s10 =	sld [smem:$0x3FB2]  }
0x39: {  	_ = 	snop;
	(pc) =	sbr.ind lr, $3  }
0x3a: {  	_ = 	snop  }
0x3b: {  	_ = 	snop  }
0x3c: {  	p2 =	seq.s32 s10, $0x1;
	s10 =	sld [smem:$0x3FB1]  }
0x3d: {  	_ =	shalt  }
0x3e: {  	_ =	shalt  }
0x3f: {  	_ =	shalt  }
0x40: {  	_ =	shalt  }
0x41: {  	_ =	shalt  }
0x42: {  	_ =	shalt  }
0x43: {  	_ =	shalt  }
0x44: {  	_ =	shalt  }
0x45: {  	_ =	shalt  }
0x46: {  	_ =	shalt  }
0x47: {  	_ =	shalt  }
0x48: {  	_ =	shalt  }
0x49: {  	_ =	shalt  }
0x4a: {  	_ =	shalt  }
0x4b: {  	_ =	shalt  }
0x4c: {  	_ =	shalt  }
0x4d: {  	_ =	shalt  }
0x4e: {  	_ =	shalt  }
0x4f: {  	_ =	shalt  }
0x50: {  	_ =	shalt  }
0x51: {  	_ =	shalt  }
0x52: {  	_ =	shalt  }
0x53: {  	_ =	shalt  }
0x54: {  	_ =	shalt  }
0x55: {  	_ =	shalt  }
0x56: {  	_ =	shalt  }
0x57: {  	_ =	shalt  }
0x58: {  	_ =	shalt  }
0x59: {  	_ =	shalt  }
0x5a: {  	_ =	shalt  }
0x5b: {  	_ =	shalt  }
0x5c: {  	_ =	shalt  }
0x5d: {  	_ =	shalt  }
0x5e: {  	_ =	shalt  }
0x5f: {  	_ =	shalt  }
0x60: {  	_ =	shalt  }
0x61: {  	_ =	shalt  }
0x62: {  	_ =	shalt  }
0x63: {  	_ =	shalt  }
0x64: {  	_ =	shalt  }
0x65: {  	_ =	shalt  }
0x66: {  	_ =	shalt  }
0x67: {  	_ =	shalt  }
0x68: {  	_ =	shalt  }
0x69: {  	_ =	shalt  }
0x6a: {  	_ =	shalt  }
0x6b: {  	_ =	shalt  }
0x6c: {  	_ =	shalt  }
0x6d: {  	_ =	shalt  }
0x6e: {  	_ =	shalt  }
0x6f: {  	_ =	shalt  }
0x70: {  	_ =	shalt  }
0x71: {  	_ =	shalt  }
0x72: {  	_ =	shalt  }
0x73: {  	_ =	shalt  }
0x74: {  	_ =	shalt  }
0x75: {  	_ =	shalt  }
0x76: {  	_ =	shalt  }
0x77: {  	_ =	shalt  }
0x78: {  	_ =	shalt  }
0x79: {  	_ =	shalt  }
0x7a: {  	_ =	shalt  }
0x7b: {  	_ =	shalt  }
0x7c: {  	_ =	shalt  }
0x7d: {  	_ =	shalt  }
0x7e: {  	_ =	shalt  }
0x7f: {  	_ =	shalt  }
0x80: {  	_ =	shalt  }
0x81: {  	_ =	shalt  }
0x82: {  	_ =	shalt  }
0x83: {  	_ =	shalt  }
0x84: {  	_ =	shalt  }
0x85: {  	_ =	shalt  }
0x86: {  	_ =	shalt  }
0x87: {  	_ =	shalt  }
.Lfunc_end0:
.L_simem_size_0:
called_computation_lowered:
.L_overlay_start_0:
0x88: {  	s2 =	sld [smem:$0x3FD9]  }
0x89: {  	s3 =	sld [smem:$0x3FFE];
	_ =	sdelay $0x1  }
0x8a: {  	s1 =	srdreg.scid  }
0x8b: {  	s0 =	sand.u32 $0x1, s1  }
0x8c: {  	s16 =	sshll.u32 s0, $0xA;
	s2 =	sadd.s32 s3, s2  }
0x8d: {  	s2 =	sadd.s32 s2, s16  }
0x8e: {  	[smem:$0x3FBD] =	sst s2  }
0x8f: {  	_ = 	snop  }
0x90: {  	(tm) =	ssettm $0x1  }
0x91: {  	s17 =	sld [smem:$0x3FFB];
	_ =	sdelay $0x3  }
0x92: {  	_ =	strace s17  }
0x93: {  	s2 =	sld [smem:$0x3FFC];
	_ =	sdelay $0x3  }
0x94: {  	_ =	strace s2  }
0x95: {  	s2 =	sld [smem:$0x3FFD];
	_ =	sdelay $0x3  }
0x96: {  	_ =	strace s2  }
0x97: {  	_ =	strace $0x8FFFFFFF  }
0x98: {  	s18 =	sld [smem:$0x3FDB];
	_ =	sdelay $0x1  }
0x99: {  	s19 =	simm.s32 $_scs_section_size  }
0x9a: {  	s4 =	simm.s32 $_size__tile_overlayer_lowered;
	s5 =	simm.s32 $_tile_overlayer_lowered  }
0x9b: {  	s22 =	simm.s32 $0x1BFF;
	s21 =	sshll.u32 s5, $0x1;
	s2 =	sadd.s32 s19, s18  }
0x9c: {  	s6 =	simm.s32 $0x0;
	s20 =	sshll.u32 s4, $0x1;
	s4 =	sadd.s32 s21, s2  }
0x9d: {  	[timem:s6], [sflag:s22] =	dma.local [hbm:s4], s20  }
0x9e: {  	_ =	swait.ge [sflag:s22], s20  }
0x9f: {  	s3 =	ssub.s32 $0x0, s20;
	[sflag:s22] =	ssyncset.done $0x0  }
0xa0: {  	[sflag:s22] =	ssyncadd.s32 s3;
	_ =	sdelay $0x1  }
0xa1: {  	s23 =	simm.s32 $0x1B8B  }
0xa2: {  	_ =	swait.ge [sflag:s23], $0x1  }
0xa3: {  	[sflag:s23] =	ssyncset.done $0x0  }
0xa4: {  	s25 =	simm.s32 $0x1B8E;
	s24 =	sld [smem:$0x3FFE];
	[sflag:s23] =	ssyncadd.s32 $0xFFFFFFFF  }
0xa5: {  	s26 =	simm.s32 $execute0_lowered;
	[smem:$0x3FD2] =	sst s25  }
0xa6: {  	s4 =	sshll.u32 s26, $0x1;
	_ =	strace $0x80000046;
	[dreg:$0x1] =	wrdreg $0xFFFFFFFF  }
0xa7: {  	s28 =	simm.s32 $_size_execute0_lowered;
	s2 =	sadd.s32 s2, s4;
	[dreg:$0x0] =	wrdreg $0x0  }
0xa8: {  	s4 =	sshll.u32 s28, $0x1;
	[dreg:$0x2] =	wrdreg s2  }
0xa9: {  	[dreg:$0x3] =	wrdreg s4  }
0xaa: {  	[dreg:$0x4] =	wrdreg $0xC0  }
0xab: {  	_ =	task [dreg:s6], $0x5FFFF  }
0xac: {  	[dreg:$0x1] =	wrdreg $0xFFFFFFFF  }
0xad: {  	[dreg:$0x0] =	wrdreg $0x60  }
0xae: {  	[dreg:$0x2] =	wrdreg s24  }
0xaf: {  	[dreg:$0x3] =	wrdreg $0x68000  }
0xb0: {  	[dreg:$0x4] =	wrdreg $0x9  }
0xb1: {  	_ =	task.clear_ibuf [dreg:s6], $0x5FFFF;
	_ =	strace $0x90000046  }
0xb2: {  	s29 =	simm.s32 $0x9;
	_ =	strace $0x80000048  }
0xb3: {  	_ =	swait.ge [sflag:s29], $0x1  }
0xb4: {  	[sflag:s29] =	ssyncadd.s32 $0xFFFFFFFF  }
0xb5: {  	_ =	strace $0x90000048  }
0xb6: {  	_ =	sfence  }
0xb7: {  	s30 =	sld [smem:$0x0];
	_ =	sdelay $0x2  }
0xb8: {  	s31 =	sshll.u32 s1, $0xD;
	s1 =	sshrl.u32 s1, $0x2  }
0xb9: {  	s3 =	sand.u32 $0x4000, s31;
	s1 =	sadd.s32 s1, s30  }
0xba: {  	s0 =	sor.u32 s3, s0;
	s1 =	sshll.u32 s1, $0x11  }
0xbb: {  	s0 =	sor.u32 s1, s0  }
0xbc: {  	s0 =	sadd.s32 $0x8F2B, s0  }
0xbd: {  	[sflag:s0] =	ssyncadd.remote.s32 $0x1  }
0xbe: {  	_ =	sfence.sel $0xFFFF  }
0xbf: {  	[dreg:$0x0] =	wrdreg $0xFFFFFFFF;
	(pc) =	sbr.abs _section_cstart, $3  }
0xc0: {  	[dreg:$0x1] =	wrdreg $0xFFFFFFFF  }
0xc1: {  	_ =	task.clear_ibuf [dreg:s6], $0x2FFFF;
	_ =	strace $0x9FFFFFFF  }
0xc2: {  	(tm) =	ssettm $0x7FFFFFFF  }
0xc3: {  	_ =	shalt  }
tec
execute0_lowered:
.L_overlay_start_1:
0x0: {  	(tag) =	ssettag $0x1  }
0x1: {  	s5 =	rddreg [dreg:$0x0]  }
0x2: {  	s2 =	rddreg [dreg:$0x1]  }
0x3: {  	s0 =	rddreg [dreg:$0x2];
	s1 =	stileid.u32  }
0x4: {  	s4 =	srdreg.scid;
	s3 =	simm.s32 $0x0;
	s14 =	simm.s32 $0x50  }
0x5: {  	s16 =	simm.s32 $0x0;
	s6 =	smul.u32 $0x14000, s1;
	s7 =	sand.u32 $0x1, s4  }
0x6: {  	[smem:$0x7FF] =	sst s3;
	s26 =	sshll.u32 s1, $0xB;
	s11 =	smul.u32 $0x50000, s1  }
0x7: {  	s4 =	sadd.s32 $0x3A600, s5;
	s15 =	sshll.u32 s1, $0x6;
	s8 =	smul.u32 $0x140000, s7  }
0x8: {  	_ =	strace $0x80000047;
	s9 =	sadd.s32 s26, s5;
	s28 =	ssub.s32 $0x2, s7  }
0x9: {  	s31 =	sshll.u32 s7, $0xF;
	s10 =	sshrl.u32 s6, $0x3;
	s29 =	sshrl.u32 s28, $0x1  }
0xa: {  	s30 =	sshrl.u32 s11, $0x2;
	s7 =	sadd.s32 s31, s9;
	s6 =	sadd.s32 s6, s8  }
0xb: {  	s10 =	sadd.s32 s10, s5;
	s13 =	ssub.s32 s28, s29;
	s11 =	sadd.s32 s30, s2  }
0xc: {  	s7 =	sadd.s32 $0x2600, s7;
	s6 =	sshrl.u32 s6, $0x3;
	s9 =	smax.u32 s13, $0x1  }
0xd: {  	s13 =	simm.s32 $0x1;
	s12 =	sadd.s32 s6, s5;
	s5 =	sadd.s32 $0x12600, s10  }
0xe: {  	s6 =	sor.u32 $0x1C01, s15;
	s10 =	sshrl.u32 s11, $0x3;
	s11 =	simm.s32 $0x4000  }
0xf: {  	s15 =	sor.u32 $0x1C02, s15;
	s8 =	sadd.s32 $0x3AC00, s12;
	s12 =	simm.s32 $0x2  }
.LBB2_1:
0x10: {  	[spmem:s10], [sflag:s6] =	dma.local [hbm:s5], $0x2800  }
0x11: {  	[tilespmem:s11], [sflag:$0x2] =	stream.linear.gather [hbm4b:s4+s3], $0x2800, $0x38;
	[tilespmem:$0x1A800] =	vst v63  }
0x12: {  	_ =	swait.ge [sflag:s12], $0x2800  }
0x13: {  	[sflag:s12] =	ssyncset.done $0x0  }
0x14: {  	[sflag:s12] =	ssyncadd.s32 $0xFFFFD800  }
0x15: {  	[tilespmem:s3], [sflag:$0x2] =	stream.linear.gather [hbm4b:s7+s3], $0x4000, $0x38;
	[tilespmem:$0x1A800] =	vst v63  }
0x16: {  	_ =	swait.ge [sflag:s12], $0x4000  }
0x17: {  	[sflag:s12] =	ssyncset.done $0x0  }
0x18: {  	[sflag:s12] =	ssyncadd.s32 $0xFFFFC000  }
0x19: {  	_ =	swait.ge [sflag:s13], $0x2800  }
0x1a: {  	[sflag:s13] =	ssyncset.done $0x0  }
0x1b: {  	[sflag:s13] =	ssyncadd.s32 $0xFFFFD800  }
0x1c: {  	s17 =	simm.s32 $0x0;
	[bflag:$0x0] =	sbarrier.arrive $0xFFFF  }
.LBB2_2:
0x1d: {  	p0 =	sne.s32 s17, $0xF800  }
.Ltmp0:
0x1e: {  	_ = 	snop;
	(pc) =	sbr.rel @p0 .LBB2_2-.Ltmp0, $3  }
0x1f: {  	_ =	sdelay $0x1  }
0x20: {  	s18 =	sshra.s32 s17, $0x2;
	s17 =	sadd.s32 $0x200, s17  }
0x21: {  	[spmem:s2] =	stream.indirect.scatter.add.f32 [tilespmem:s11], [sflag:$0x1], $0x80, s18, s14, $0xb8;
	[tilespmem:$0x1A800] =	vst v63  }
0x22: {  	_ =	swait.ge [sflag:s13], $0x2800  }
0x23: {  	s17 =	simm.s32 $0x7C;
	[sflag:s13] =	ssyncset.done $0x0  }
.LBB2_4:
0x24: {  	p0 =	sne.s32 s17, $0x1;
	s17 =	sadd.s32 $0xFFFFFFFF, s17;
	[sflag:s13] =	ssyncadd.s32 $0xFFFFD800  }
.Ltmp1:
0x25: {  	(pc) =	sbr.rel @p0 .LBB2_4-.Ltmp1, $3  }
0x26: {  	_ =	sdelay $0x1  }
0x27: {  	_ =	swait.ge [sflag:s13], $0x2800  }
0x28: {  	[sflag:s13] =	ssyncset.done $0x0  }
0x29: {  	s16 =	sadd.s32 $0x1, s16  }
0x2a: {  	[sflag:s13] =	ssyncadd.s32 $0xFFFFD800;
	p0 =	sne.s32 s16, s9  }
.Ltmp2:
0x2b: {  	[bflag:$0x0] =	sbarrier.arrive $0xFFFF;
	(pc) =	sbr.rel @p0 .LBB2_1-.Ltmp2, $4  }
0x2c: {  	[hbm:s8], [sflag:s15] =	dma.local [spmem:s10], $0x2800  }
0x2d: {  	_ =	swait.ge [sflag:s12], $0x2800  }
0x2e: {  	[sflag:s12] =	ssyncset.done $0x0  }
0x2f: {  	[sflag:s12] =	ssyncadd.s32 $0xFFFFD800  }
0x30: {  	_ =	sfence.sel $0x180000  }
0x31: {  	[bflag:$0x0] =	sbarrier.arrive $0xFFFF  }
0x32: {  	p0 =	sne.s32 s1, $0x0;
	_ =	strace $0x90000047  }
0x33: {  	s0 =	sadd.s32 @!p0 $0x100000, s0;
	[bflag:$0x2] =	sbarrier.arrive $0xFFFF  }
0x34: {  	[sflag:s0] =	ssyncadd.tile.s32 @!p0 $0x1;
	_ =	shalt  }
.Lfunc_end2:
_tile_overlayer_lowered:
.L_overlay_start_2:
0x35: {  	(tag) =	ssettag $0x2  }
0x36: {  	s0 =	rddreg [dreg:$0x0];
	s2 =	stileid.u32  }
0x37: {  	s1 =	rddreg [dreg:$0x1];
	p0 =	sne.s32 s2, $0x0  }
0x38: {  	s3 =	rddreg [dreg:$0x2];
	[bflag:$0x3] =	sbarrier.arrive $0xFFFF;
	s2 =	simm.s32 @!p0 $0x1C02  }
0x39: {  	[timem:s3], [sflag:s2] =	dma.local @!p0 [hbm:s0], s1  }
0x3a: {  	s0 =	simm.s32 @!p0 $0x2  }
0x3b: {  	_ =	swait.ge @!p0 [sflag:s0], s1  }
0x3c: {  	s1 =	ssub.s32 @!p0 $0x0, s1;
	[sflag:s0] =	ssyncset.done @!p0 $0x0  }
0x3d: {  	[sflag:s0] =	ssyncadd.s32 @!p0 s1  }
0x3e: {  	[bflag:$0x3] =	sbarrier.arrive $0xFFFF  }
0x3f: {  	_ =	shalt  }

</sc_bundles>
